<compile_context>
chip_gen: v7x
topology: tpu7x:2x2x1
jax: 0.10.2.dev20260603
libtpu: 0.0.44.dev20260713+nightly
codegen_flags: <defaults>
</compile_context>

<pallas_src>
import functools

import jax
import jax.numpy as jnp
from jax import lax
from jax.experimental import pallas as pl
from jax.experimental.pallas import tpu as pltpu
from jax.experimental.pallas import tpu_sc as plsc

_NC = 2
_NS = 16
_NW = _NC * _NS
_APAD = 10240


def _f_body(cd_ref, w_ref, f_ref):
    f_ref[...] = -jax.lax.dot_general(
        cd_ref[...], w_ref[0],
        dimension_numbers=(((2,), (0,)), ((), ())),
        preferred_element_type=jnp.float32,
    )


def _compute_f(cd2, w):
    _, m, d = cd2.shape
    bm = 6400
    return pl.pallas_call(
        _f_body,
        grid=(m // bm,),
        in_specs=[
            pl.BlockSpec((3, bm, d), lambda i: (0, i, 0)),
            pl.BlockSpec((1, d), lambda i: (0, 0)),
        ],
        out_specs=pl.BlockSpec((3, bm), lambda i: (0, i)),
        out_shape=jax.ShapeDtypeStruct((3, m), jnp.float32),
    )(cd2, w)


def _sc_segment_sum(f_flat, neigh, m):
    chunk = m // _NW
    sl = (3 * _APAD) // _NS
    mesh = plsc.VectorSubcoreMesh(core_axis_name="c", subcore_axis_name="s")

    @functools.partial(
        pl.kernel,
        out_type=jax.ShapeDtypeStruct((_NC, 3 * _APAD), jnp.float32),
        mesh=mesh,
        scratch_types=[
            pltpu.VMEM((chunk,), jnp.int32),
            pltpu.VMEM((3 * chunk,), jnp.float32),
            pltpu.VMEM((3 * _APAD,), jnp.float32),
            pltpu.VMEM_SHARED((_NS, 3 * _APAD), jnp.float32),
            pltpu.VMEM((sl,), jnp.float32),
            pltpu.VMEM((sl,), jnp.float32),
        ],
        compiler_params=pltpu.CompilerParams(needs_layout_passes=False),
    )
    def segsum(f_hbm, neigh_hbm, out_hbm, idx_v, vals_v, acc_v, shared, red_v, tmp_v):
        cid = lax.axis_index("c")
        sid = lax.axis_index("s")
        wid = cid * _NS + sid
        base = wid * chunk

        pltpu.sync_copy(neigh_hbm.at[pl.ds(base, chunk)], idx_v)
        for kk in range(3):
            pltpu.sync_copy(
                f_hbm.at[pl.ds(kk * m + base, chunk)],
                vals_v.at[pl.ds(kk * chunk, chunk)],
            )

        zero = jnp.zeros((16,), jnp.float32)

        def zbody(i, c):
            acc_v[pl.ds(i * 16, 16)] = zero
            return c

        lax.fori_loop(0, (3 * _APAD) // 16, zbody, 0)

        def sbody(j, c):
            idx = idx_v[pl.ds(j * 16, 16)]
            for kk in range(3):
                v = vals_v[pl.ds(kk * chunk + j * 16, 16)]
                plsc.addupdate_scatter(acc_v, [idx + kk * _APAD], v)
            return c

        lax.fori_loop(0, chunk // 16, sbody, 0)

        pltpu.sync_copy(acc_v, shared.at[sid])
        plsc.subcore_barrier()

        rbase = sid * sl
        pltpu.sync_copy(shared.at[0, pl.ds(rbase, sl)], red_v)
        for s in range(1, _NS):
            pltpu.sync_copy(shared.at[s, pl.ds(rbase, sl)], tmp_v)

            def abody(i, c):
                red_v[pl.ds(i * 16, 16)] = (
                    red_v[pl.ds(i * 16, 16)] + tmp_v[pl.ds(i * 16, 16)]
                )
                return c

            lax.fori_loop(0, sl // 16, abody, 0)
        pltpu.sync_copy(red_v, out_hbm.at[cid, pl.ds(rbase, sl)])

    return segsum(f_flat, neigh)


def _merge_body(c_ref, w_ref, b_ref, parts_ref, e_ref, f_ref):
    n_atoms = c_ref.shape[0]
    s = jnp.sum(c_ref[...] * w_ref[0][None, :])
    e_ref[0, 0] = s / n_atoms + b_ref[0]
    f_ref[...] = parts_ref[0] + parts_ref[1]


def _merge(coeffs2, w, b, parts):
    n, d = coeffs2.shape
    return pl.pallas_call(
        _merge_body,
        in_specs=[
            pl.BlockSpec((n, d), lambda: (0, 0)),
            pl.BlockSpec((1, d), lambda: (0, 0)),
            pl.BlockSpec(memory_space=pltpu.SMEM),
            pl.BlockSpec((_NC, 3, _APAD), lambda: (0, 0, 0)),
        ],
        out_specs=[
            pl.BlockSpec(memory_space=pltpu.SMEM),
            pl.BlockSpec((3, _APAD), lambda: (0, 0)),
        ],
        out_shape=[
            jax.ShapeDtypeStruct((1, 1), jnp.float32),
            jax.ShapeDtypeStruct((3, _APAD), jnp.float32),
        ],
    )(coeffs2, w, b, parts)


def kernel(coeffs, coeffs_derivs, central_atom_index, neigh_atom_index, weight1, bias1):
    del central_atom_index
    num_atoms = coeffs.shape[1]
    m = coeffs_derivs.shape[2]

    cd2 = coeffs_derivs.reshape(3, m, coeffs_derivs.shape[3])
    f = _compute_f(cd2, weight1)
    parts = _sc_segment_sum(f.reshape(3 * m), neigh_atom_index, m)
    e, fmerged = _merge(
        coeffs.reshape(num_atoms, -1), weight1, bias1,
        parts.reshape(_NC, 3, _APAD),
    )
    e_pa = e.reshape(1)
    out_f = fmerged[:, :num_atoms][None]
    return (e_pa, out_f)

# --- scband reference (transcript-rebuilt; emitter-appended) ---
"""Pipeline reference for scband-net-1975684956439 (READ-ONLY COPY).

The authoritative reference and input builder live on the scoring server;
editing this copy changes nothing except your own understanding.
"""

import jax, jax.numpy as jnp
import numpy as np
import math

NUM_ATOMS = 10000
M = 320000
D = 128

def setup_inputs(seed: int = 0) -> dict:
    key = jax.random.key(seed)
    k1, k2, k3, k4, k5 = jax.random.split(key, 5)
    coeffs = jax.random.normal(k1, (1, NUM_ATOMS, D), dtype=jnp.float32)
    coeffs_derivs = jax.random.normal(k2, (1, 3, M, D), dtype=jnp.float32)
    central_atom_index = jax.random.randint(k3, (M,), 0, NUM_ATOMS, dtype=jnp.int32)
    neigh_atom_index = jax.random.randint(k4, (M,), 0, NUM_ATOMS, dtype=jnp.int32)
    # learned params per reset_parameters: uniform(-stdv, stdv), stdv = sqrt(6/(1+D+1))
    stdv = math.sqrt(6.0 / (1 + D + 1))
    weight1 = jax.random.uniform(k5, (1, D), dtype=jnp.float32, minval=-stdv, maxval=stdv)
    bias1 = jnp.zeros((1,), dtype=jnp.float32)
    return {
        "coeffs": coeffs,
        "coeffs_derivs": coeffs_derivs,
        "central_atom_index": central_atom_index,
        "neigh_atom_index": neigh_atom_index,
        "weight1": weight1,
        "bias1": bias1,
    }

def reference(coeffs, coeffs_derivs, central_atom_index, neigh_atom_index, weight1, bias1):
    num_atoms = coeffs.shape[1]
    # per-atom energy: elementwise scale by weight1 then global mean-style reduce
    e_pa = coeffs * weight1
    e_pa = jnp.sum(e_pa) / num_atoms + bias1  # shape [1]
    # forces: scale derivs by weight1, reduce descriptor dim, negate
    f = coeffs_derivs * weight1
    f = -jnp.sum(f, axis=3)  # [1, 3, M]
    # segment-sum neighbor contributions into per-atom forces
    # (faithful to the original per-atom masked-sum loop: out_f[:,:,i] = sum_{j: neigh[j]==i} f[:,:,j])
    f_t = jnp.moveaxis(f, 2, 0)  # [M, 1, 3]
    seg = jax.ops.segment_sum(f_t, neigh_atom_index, num_segments=num_atoms)  # [num_atoms, 1, 3]
    out_f = jnp.moveaxis(seg, 0, 2)  # [1, 3, num_atoms]
    return (e_pa, out_f)

if __name__ == "__main__":
    import jax
    _d = setup_inputs()
    print(jax.jit(kernel)(*tuple(_d.values())))

</pallas_src>

<mosaic_0001>
#map = affine_map<(d0, d1) -> (0)>
#map1 = affine_map<(d0, d1) -> (0, 0)>
module attributes {stable_mosaic.version = 14 : i64} {
  func.func @segsum(%arg0: i32, %arg1: i32, %arg2: memref<960000xf32, #tpu.memory_space<hbm>>, %arg3: memref<320000xi32, #tpu.memory_space<hbm>>, %arg4: memref<2x30720xf32, #tpu.memory_space<hbm>>, %arg5: memref<10000xi32, #tpu.memory_space<vmem>>, %arg6: memref<30000xf32, #tpu.memory_space<vmem>>, %arg7: memref<30720xf32, #tpu.memory_space<vmem>>, %arg8: memref<16x30720xf32, #tpu.memory_space<vmem_shared>>, %arg9: memref<1920xf32, #tpu.memory_space<vmem>>, %arg10: memref<1920xf32, #tpu.memory_space<vmem>>) attributes {dimension_semantics = [#tpu.dimension_semantics<core_parallel>, #tpu.dimension_semantics<subcore_parallel>], iteration_bounds = array<i64: 2, 16>, scalar_prefetch = 0 : i64, scratch_operands = 6 : i64, tpu.core_type = #tpu.core_type<sc_vector_subcore>, window_params = [{transform_indices = #map}, {transform_indices = #map}, {transform_indices = #map1}]} {
    %mul3A = arith.constant 16 : i32
    %mul3A_0 = arith.muli %arg0, %mul3A : i32
    %add3A = arith.addi %mul3A_0, %arg1 : i32
    %mul3A_1 = arith.constant 10000 : i32
    %mul3A_2 = arith.muli %add3A, %mul3A_1 : i32
    "tpu.region"() ({
      %run_scoped3A_128 = tpu.sem_alloc : memref<!tpu.dma_semaphore, #tpu.memory_space<semaphore_mem>>
      %dma_start3A = tpu.memref_slice %arg3[%mul3A_2] : memref<320000xi32, #tpu.memory_space<hbm>> -> memref<10000xi32, #tpu.memory_space<hbm>>
      %dma_start3A_129 = tpu.memref_slice %arg3[%mul3A_2] : memref<320000xi32, #tpu.memory_space<hbm>> -> memref<10000xi32, #tpu.memory_space<hbm>>
      tpu.enqueue_dma source(%dma_start3A_129 : memref<10000xi32, #tpu.memory_space<hbm>>) target(%arg5 : memref<10000xi32, #tpu.memory_space<vmem>>) target_semaphore(%run_scoped3A_128 : memref<!tpu.dma_semaphore, #tpu.memory_space<semaphore_mem>>)
      %dma_wait3A = tpu.memref_slice %arg3[%mul3A_2] : memref<320000xi32, #tpu.memory_space<hbm>> -> memref<10000xi32, #tpu.memory_space<hbm>>
      %dma_wait3A_130 = tpu.memref_slice %arg3[%mul3A_2] : memref<320000xi32, #tpu.memory_space<hbm>> -> memref<10000xi32, #tpu.memory_space<hbm>>
      tpu.wait_dma2 semaphore(%run_scoped3A_128 : memref<!tpu.dma_semaphore, #tpu.memory_space<semaphore_mem>>) src(%dma_wait3A_130 : memref<10000xi32, #tpu.memory_space<hbm>>) dst(%arg5 : memref<10000xi32, #tpu.memory_space<vmem>>)
      tpu.yield
    }) : () -> ()
    %add3A_3 = arith.constant 0 : i32
    %add3A_4 = arith.addi %add3A_3, %mul3A_2 : i32
    "tpu.region"() ({
      %run_scoped3A_128 = tpu.sem_alloc : memref<!tpu.dma_semaphore, #tpu.memory_space<semaphore_mem>>
      %dma_start3A = arith.constant 0 : i32
      %dma_start3A_129 = tpu.memref_slice %arg6[%dma_start3A] : memref<30000xf32, #tpu.memory_space<vmem>> -> memref<10000xf32, #tpu.memory_space<vmem>>
      %dma_start3A_130 = tpu.memref_slice %arg2[%add3A_4] : memref<960000xf32, #tpu.memory_space<hbm>> -> memref<10000xf32, #tpu.memory_space<hbm>>
      %dma_start3A_131 = arith.constant 0 : i32
      %dma_start3A_132 = tpu.memref_slice %arg6[%dma_start3A_131] : memref<30000xf32, #tpu.memory_space<vmem>> -> memref<10000xf32, #tpu.memory_space<vmem>>
      %dma_start3A_133 = tpu.memref_slice %arg2[%add3A_4] : memref<960000xf32, #tpu.memory_space<hbm>> -> memref<10000xf32, #tpu.memory_space<hbm>>
      tpu.enqueue_dma source(%dma_start3A_133 : memref<10000xf32, #tpu.memory_space<hbm>>) target(%dma_start3A_132 : memref<10000xf32, #tpu.memory_space<vmem>>) target_semaphore(%run_scoped3A_128 : memref<!tpu.dma_semaphore, #tpu.memory_space<semaphore_mem>>)
      %dma_wait3A = arith.constant 0 : i32
      %dma_wait3A_134 = tpu.memref_slice %arg6[%dma_wait3A] : memref<30000xf32, #tpu.memory_space<vmem>> -> memref<10000xf32, #tpu.memory_space<vmem>>
      %dma_wait3A_135 = tpu.memref_slice %arg2[%add3A_4] : memref<960000xf32, #tpu.memory_space<hbm>> -> memref<10000xf32, #tpu.memory_space<hbm>>
      %dma_wait3A_136 = arith.constant 0 : i32
      %dma_wait3A_137 = tpu.memref_slice %arg6[%dma_wait3A_136] : memref<30000xf32, #tpu.memory_space<vmem>> -> memref<10000xf32, #tpu.memory_space<vmem>>
      %dma_wait3A_138 = tpu.memref_slice %arg2[%add3A_4] : memref<960000xf32, #tpu.memory_space<hbm>> -> memref<10000xf32, #tpu.memory_space<hbm>>
      tpu.wait_dma2 semaphore(%run_scoped3A_128 : memref<!tpu.dma_semaphore, #tpu.memory_space<semaphore_mem>>) src(%dma_wait3A_138 : memref<10000xf32, #tpu.memory_space<hbm>>) dst(%dma_wait3A_137 : memref<10000xf32, #tpu.memory_space<vmem>>)
      tpu.yield
    }) : () -> ()
    %add3A_5 = arith.constant 320000 : i32
    %add3A_6 = arith.addi %add3A_5, %mul3A_2 : i32
    "tpu.region"() ({
      %run_scoped3A_128 = tpu.sem_alloc : memref<!tpu.dma_semaphore, #tpu.memory_space<semaphore_mem>>
      %dma_start3A = arith.constant 10000 : i32
      %dma_start3A_129 = tpu.memref_slice %arg6[%dma_start3A] : memref<30000xf32, #tpu.memory_space<vmem>> -> memref<10000xf32, #tpu.memory_space<vmem>>
      %dma_start3A_130 = tpu.memref_slice %arg2[%add3A_6] : memref<960000xf32, #tpu.memory_space<hbm>> -> memref<10000xf32, #tpu.memory_space<hbm>>
      %dma_start3A_131 = arith.constant 10000 : i32
      %dma_start3A_132 = tpu.memref_slice %arg6[%dma_start3A_131] : memref<30000xf32, #tpu.memory_space<vmem>> -> memref<10000xf32, #tpu.memory_space<vmem>>
      %dma_start3A_133 = tpu.memref_slice %arg2[%add3A_6] : memref<960000xf32, #tpu.memory_space<hbm>> -> memref<10000xf32, #tpu.memory_space<hbm>>
      tpu.enqueue_dma source(%dma_start3A_133 : memref<10000xf32, #tpu.memory_space<hbm>>) target(%dma_start3A_132 : memref<10000xf32, #tpu.memory_space<vmem>>) target_semaphore(%run_scoped3A_128 : memref<!tpu.dma_semaphore, #tpu.memory_space<semaphore_mem>>)
      %dma_wait3A = arith.constant 10000 : i32
      %dma_wait3A_134 = tpu.memref_slice %arg6[%dma_wait3A] : memref<30000xf32, #tpu.memory_space<vmem>> -> memref<10000xf32, #tpu.memory_space<vmem>>
      %dma_wait3A_135 = tpu.memref_slice %arg2[%add3A_6] : memref<960000xf32, #tpu.memory_space<hbm>> -> memref<10000xf32, #tpu.memory_space<hbm>>
      %dma_wait3A_136 = arith.constant 10000 : i32
      %dma_wait3A_137 = tpu.memref_slice %arg6[%dma_wait3A_136] : memref<30000xf32, #tpu.memory_space<vmem>> -> memref<10000xf32, #tpu.memory_space<vmem>>
      %dma_wait3A_138 = tpu.memref_slice %arg2[%add3A_6] : memref<960000xf32, #tpu.memory_space<hbm>> -> memref<10000xf32, #tpu.memory_space<hbm>>
      tpu.wait_dma2 semaphore(%run_scoped3A_128 : memref<!tpu.dma_semaphore, #tpu.memory_space<semaphore_mem>>) src(%dma_wait3A_138 : memref<10000xf32, #tpu.memory_space<hbm>>) dst(%dma_wait3A_137 : memref<10000xf32, #tpu.memory_space<vmem>>)
      tpu.yield
    }) : () -> ()
    %add3A_7 = arith.constant 640000 : i32
    %add3A_8 = arith.addi %add3A_7, %mul3A_2 : i32
    "tpu.region"() ({
      %run_scoped3A_128 = tpu.sem_alloc : memref<!tpu.dma_semaphore, #tpu.memory_space<semaphore_mem>>
      %dma_start3A = arith.constant 20000 : i32
      %dma_start3A_129 = tpu.memref_slice %arg6[%dma_start3A] : memref<30000xf32, #tpu.memory_space<vmem>> -> memref<10000xf32, #tpu.memory_space<vmem>>
      %dma_start3A_130 = tpu.memref_slice %arg2[%add3A_8] : memref<960000xf32, #tpu.memory_space<hbm>> -> memref<10000xf32, #tpu.memory_space<hbm>>
      %dma_start3A_131 = arith.constant 20000 : i32
      %dma_start3A_132 = tpu.memref_slice %arg6[%dma_start3A_131] : memref<30000xf32, #tpu.memory_space<vmem>> -> memref<10000xf32, #tpu.memory_space<vmem>>
      %dma_start3A_133 = tpu.memref_slice %arg2[%add3A_8] : memref<960000xf32, #tpu.memory_space<hbm>> -> memref<10000xf32, #tpu.memory_space<hbm>>
      tpu.enqueue_dma source(%dma_start3A_133 : memref<10000xf32, #tpu.memory_space<hbm>>) target(%dma_start3A_132 : memref<10000xf32, #tpu.memory_space<vmem>>) target_semaphore(%run_scoped3A_128 : memref<!tpu.dma_semaphore, #tpu.memory_space<semaphore_mem>>)
      %dma_wait3A = arith.constant 20000 : i32
      %dma_wait3A_134 = tpu.memref_slice %arg6[%dma_wait3A] : memref<30000xf32, #tpu.memory_space<vmem>> -> memref<10000xf32, #tpu.memory_space<vmem>>
      %dma_wait3A_135 = tpu.memref_slice %arg2[%add3A_8] : memref<960000xf32, #tpu.memory_space<hbm>> -> memref<10000xf32, #tpu.memory_space<hbm>>
      %dma_wait3A_136 = arith.constant 20000 : i32
      %dma_wait3A_137 = tpu.memref_slice %arg6[%dma_wait3A_136] : memref<30000xf32, #tpu.memory_space<vmem>> -> memref<10000xf32, #tpu.memory_space<vmem>>
      %dma_wait3A_138 = tpu.memref_slice %arg2[%add3A_8] : memref<960000xf32, #tpu.memory_space<hbm>> -> memref<10000xf32, #tpu.memory_space<hbm>>
      tpu.wait_dma2 semaphore(%run_scoped3A_128 : memref<!tpu.dma_semaphore, #tpu.memory_space<semaphore_mem>>) src(%dma_wait3A_138 : memref<10000xf32, #tpu.memory_space<hbm>>) dst(%dma_wait3A_137 : memref<10000xf32, #tpu.memory_space<vmem>>)
      tpu.yield
    }) : () -> ()
    %broadcast_in_dim3A = arith.constant 0.000000e+00 : f32
    %broadcast_in_dim3A_9 = vector.broadcast %broadcast_in_dim3A : f32 to vector<16xf32>
    %scan3A = arith.constant 0 : i32
    %scan3A_10 = arith.constant 0 : i32
    %scan3A_11 = arith.constant 1920 : i32
    %scan3A_12 = arith.addi %scan3A_10, %scan3A_11 : i32
    %scan3A_13 = arith.constant 1 : i32
    scf.for %scan3A_128 = %scan3A_10 to %scan3A_12 step %scan3A_13  : i32 {
      %mul3A_129 = arith.constant 16 : i32
      %mul3A_130 = arith.muli %scan3A_128, %mul3A_129 : i32
      %swap3A = arith.index_cast %mul3A_130 : i32 to index
      %swap3A_131 = tpu.vector_load %arg7[%swap3A] {strides = array<i32>} : memref<30720xf32, #tpu.memory_space<vmem>>, vector<16xf32>,
      tpu.vector_store %arg7[%swap3A], %broadcast_in_dim3A_9 {strides = array<i32>} : memref<30720xf32, #tpu.memory_space<vmem>>, vector<16xf32>,
    }
    %scan3A_14 = arith.constant 1920 : i32
    %scan3A_15 = arith.constant 0 : i32
    %scan3A_16 = arith.constant 0 : i32
    %scan3A_17 = arith.constant 625 : i32
    %scan3A_18 = arith.addi %scan3A_16, %scan3A_17 : i32
    %scan3A_19 = arith.constant 1 : i32
    scf.for %scan3A_128 = %scan3A_16 to %scan3A_18 step %scan3A_19  : i32 {
      %mul3A_129 = arith.constant 16 : i32
      %mul3A_130 = arith.muli %scan3A_128, %mul3A_129 : i32
      %get3A = arith.index_cast %mul3A_130 : i32 to index
      %get3A_131 = tpu.vector_load %arg5[%get3A] {strides = array<i32>} : memref<10000xi32, #tpu.memory_space<vmem>>, vector<16xi32>,
      %mul3A_132 = arith.constant 16 : i32
      %mul3A_133 = arith.muli %scan3A_128, %mul3A_132 : i32
      %add3A_134 = arith.constant 0 : i32
      %add3A_135 = arith.addi %add3A_134, %mul3A_133 : i32
      %get3A_136 = arith.index_cast %add3A_135 : i32 to index
      %get3A_137 = tpu.vector_load %arg6[%get3A_136] {strides = array<i32>} : memref<30000xf32, #tpu.memory_space<vmem>>, vector<16xf32>,
      %add3A_138 = arith.constant 0 : i32
      %add3A_139 = vector.broadcast %add3A_138 : i32 to vector<16xi32>
      %add3A_140 = arith.addi %get3A_131, %add3A_139 : vector<16xi32>
      tpu.vector_store_idx %arg7[%add3A_140], %get3A_137 {add = true} : memref<30720xf32, #tpu.memory_space<vmem>>[vector<16xi32>], vector<16xf32>,
      %mul3A_141 = arith.constant 16 : i32
      %mul3A_142 = arith.muli %scan3A_128, %mul3A_141 : i32
      %add3A_143 = arith.constant 10000 : i32
      %add3A_144 = arith.addi %add3A_143, %mul3A_142 : i32
      %get3A_145 = arith.index_cast %add3A_144 : i32 to index
      %get3A_146 = tpu.vector_load %arg6[%get3A_145] {strides = array<i32>} : memref<30000xf32, #tpu.memory_space<vmem>>, vector<16xf32>,
      %add3A_147 = arith.constant 10240 : i32
      %add3A_148 = vector.broadcast %add3A_147 : i32 to vector<16xi32>
      %add3A_149 = arith.addi %get3A_131, %add3A_148 : vector<16xi32>
      tpu.vector_store_idx %arg7[%add3A_149], %get3A_146 {add = true} : memref<30720xf32, #tpu.memory_space<vmem>>[vector<16xi32>], vector<16xf32>,
      %mul3A_150 = arith.constant 16 : i32
      %mul3A_151 = arith.muli %scan3A_128, %mul3A_150 : i32
      %add3A_152 = arith.constant 20000 : i32
      %add3A_153 = arith.addi %add3A_152, %mul3A_151 : i32
      %get3A_154 = arith.index_cast %add3A_153 : i32 to index
      %get3A_155 = tpu.vector_load %arg6[%get3A_154] {strides = array<i32>} : memref<30000xf32, #tpu.memory_space<vmem>>, vector<16xf32>,
      %add3A_156 = arith.constant 20480 : i32
      %add3A_157 = vector.broadcast %add3A_156 : i32 to vector<16xi32>
      %add3A_158 = arith.addi %get3A_131, %add3A_157 : vector<16xi32>
      tpu.vector_store_idx %arg7[%add3A_158], %get3A_155 {add = true} : memref<30720xf32, #tpu.memory_space<vmem>>[vector<16xi32>], vector<16xf32>,
    }
    %scan3A_20 = arith.constant 625 : i32
    "tpu.region"() ({
      %run_scoped3A_128 = tpu.sem_alloc : memref<!tpu.dma_semaphore, #tpu.memory_space<semaphore_mem>>
      %dma_start3A = arith.constant 0 : i32
      %dma_start3A_129 = tpu.memref_slice %arg8[%arg1, %dma_start3A] : memref<16x30720xf32, #tpu.memory_space<vmem_shared>> -> memref<1x30720xf32, #tpu.memory_space<vmem_shared>>
      %dma_start3A_130 = tpu.memref_squeeze %dma_start3A_129 : memref<1x30720xf32, #tpu.memory_space<vmem_shared>> -> memref<30720xf32, #tpu.memory_space<vmem_shared>>
      %dma_start3A_131 = arith.constant 0 : i32
      %dma_start3A_132 = tpu.memref_slice %arg8[%arg1, %dma_start3A_131] : memref<16x30720xf32, #tpu.memory_space<vmem_shared>> -> memref<1x30720xf32, #tpu.memory_space<vmem_shared>>
      %dma_start3A_133 = tpu.memref_squeeze %dma_start3A_132 : memref<1x30720xf32, #tpu.memory_space<vmem_shared>> -> memref<30720xf32, #tpu.memory_space<vmem_shared>>
      tpu.enqueue_dma source(%arg7 : memref<30720xf32, #tpu.memory_space<vmem>>) target(%dma_start3A_133 : memref<30720xf32, #tpu.memory_space<vmem_shared>>) target_semaphore(%run_scoped3A_128 : memref<!tpu.dma_semaphore, #tpu.memory_space<semaphore_mem>>)
      %dma_wait3A = arith.constant 0 : i32
      %dma_wait3A_134 = tpu.memref_slice %arg8[%arg1, %dma_wait3A] : memref<16x30720xf32, #tpu.memory_space<vmem_shared>> -> memref<1x30720xf32, #tpu.memory_space<vmem_shared>>
      %dma_wait3A_135 = tpu.memref_squeeze %dma_wait3A_134 : memref<1x30720xf32, #tpu.memory_space<vmem_shared>> -> memref<30720xf32, #tpu.memory_space<vmem_shared>>
      %dma_wait3A_136 = arith.constant 0 : i32
      %dma_wait3A_137 = tpu.memref_slice %arg8[%arg1, %dma_wait3A_136] : memref<16x30720xf32, #tpu.memory_space<vmem_shared>> -> memref<1x30720xf32, #tpu.memory_space<vmem_shared>>
      %dma_wait3A_138 = tpu.memref_squeeze %dma_wait3A_137 : memref<1x30720xf32, #tpu.memory_space<vmem_shared>> -> memref<30720xf32, #tpu.memory_space<vmem_shared>>
      tpu.wait_dma2 semaphore(%run_scoped3A_128 : memref<!tpu.dma_semaphore, #tpu.memory_space<semaphore_mem>>) src(%arg7 : memref<30720xf32, #tpu.memory_space<vmem>>) dst(%dma_wait3A_138 : memref<30720xf32, #tpu.memory_space<vmem_shared>>)
      tpu.yield
    }) : () -> ()
    %barrier3A = arith.constant 0 : index
    tpu.barrier barrier_id(%barrier3A)
    %mul3A_21 = arith.constant 1920 : i32
    %mul3A_22 = arith.muli %arg1, %mul3A_21 : i32
    %run_scoped3A = arith.constant 0 : i32
    "tpu.region"() ({
      %run_scoped3A_128 = tpu.sem_alloc : memref<!tpu.dma_semaphore, #tpu.memory_space<semaphore_mem>>
      %dma_start3A = tpu.memref_slice %arg8[%run_scoped3A, %mul3A_22] : memref<16x30720xf32, #tpu.memory_space<vmem_shared>> -> memref<1x1920xf32, #tpu.memory_space<vmem_shared>>
      %dma_start3A_129 = tpu.memref_squeeze %dma_start3A : memref<1x1920xf32, #tpu.memory_space<vmem_shared>> -> memref<1920xf32, #tpu.memory_space<vmem_shared>>
      %dma_start3A_130 = tpu.memref_slice %arg8[%run_scoped3A, %mul3A_22] : memref<16x30720xf32, #tpu.memory_space<vmem_shared>> -> memref<1x1920xf32, #tpu.memory_space<vmem_shared>>
      %dma_start3A_131 = tpu.memref_squeeze %dma_start3A_130 : memref<1x1920xf32, #tpu.memory_space<vmem_shared>> -> memref<1920xf32, #tpu.memory_space<vmem_shared>>
      tpu.enqueue_dma source(%dma_start3A_131 : memref<1920xf32, #tpu.memory_space<vmem_shared>>) target(%arg9 : memref<1920xf32, #tpu.memory_space<vmem>>) target_semaphore(%run_scoped3A_128 : memref<!tpu.dma_semaphore, #tpu.memory_space<semaphore_mem>>)
      %dma_wait3A = tpu.memref_slice %arg8[%run_scoped3A, %mul3A_22] : memref<16x30720xf32, #tpu.memory_space<vmem_shared>> -> memref<1x1920xf32, #tpu.memory_space<vmem_shared>>
      %dma_wait3A_132 = tpu.memref_squeeze %dma_wait3A : memref<1x1920xf32, #tpu.memory_space<vmem_shared>> -> memref<1920xf32, #tpu.memory_space<vmem_shared>>
      %dma_wait3A_133 = tpu.memref_slice %arg8[%run_scoped3A, %mul3A_22] : memref<16x30720xf32, #tpu.memory_space<vmem_shared>> -> memref<1x1920xf32, #tpu.memory_space<vmem_shared>>
      %dma_wait3A_134 = tpu.memref_squeeze %dma_wait3A_133 : memref<1x1920xf32, #tpu.memory_space<vmem_shared>> -> memref<1920xf32, #tpu.memory_space<vmem_shared>>
      tpu.wait_dma2 semaphore(%run_scoped3A_128 : memref<!tpu.dma_semaphore, #tpu.memory_space<semaphore_mem>>) src(%dma_wait3A_134 : memref<1920xf32, #tpu.memory_space<vmem_shared>>) dst(%arg9 : memref<1920xf32, #tpu.memory_space<vmem>>)
      tpu.yield
    }) : () -> ()
    %run_scoped3A_23 = arith.constant 1 : i32
    "tpu.region"() ({
      %run_scoped3A_128 = tpu.sem_alloc : memref<!tpu.dma_semaphore, #tpu.memory_space<semaphore_mem>>
      %dma_start3A = tpu.memref_slice %arg8[%run_scoped3A_23, %mul3A_22] : memref<16x30720xf32, #tpu.memory_space<vmem_shared>> -> memref<1x1920xf32, #tpu.memory_space<vmem_shared>>
      %dma_start3A_129 = tpu.memref_squeeze %dma_start3A : memref<1x1920xf32, #tpu.memory_space<vmem_shared>> -> memref<1920xf32, #tpu.memory_space<vmem_shared>>
      %dma_start3A_130 = tpu.memref_slice %arg8[%run_scoped3A_23, %mul3A_22] : memref<16x30720xf32, #tpu.memory_space<vmem_shared>> -> memref<1x1920xf32, #tpu.memory_space<vmem_shared>>
      %dma_start3A_131 = tpu.memref_squeeze %dma_start3A_130 : memref<1x1920xf32, #tpu.memory_space<vmem_shared>> -> memref<1920xf32, #tpu.memory_space<vmem_shared>>
      tpu.enqueue_dma source(%dma_start3A_131 : memref<1920xf32, #tpu.memory_space<vmem_shared>>) target(%arg10 : memref<1920xf32, #tpu.memory_space<vmem>>) target_semaphore(%run_scoped3A_128 : memref<!tpu.dma_semaphore, #tpu.memory_space<semaphore_mem>>)
      %dma_wait3A = tpu.memref_slice %arg8[%run_scoped3A_23, %mul3A_22] : memref<16x30720xf32, #tpu.memory_space<vmem_shared>> -> memref<1x1920xf32, #tpu.memory_space<vmem_shared>>
      %dma_wait3A_132 = tpu.memref_squeeze %dma_wait3A : memref<1x1920xf32, #tpu.memory_space<vmem_shared>> -> memref<1920xf32, #tpu.memory_space<vmem_shared>>
      %dma_wait3A_133 = tpu.memref_slice %arg8[%run_scoped3A_23, %mul3A_22] : memref<16x30720xf32, #tpu.memory_space<vmem_shared>> -> memref<1x1920xf32, #tpu.memory_space<vmem_shared>>
      %dma_wait3A_134 = tpu.memref_squeeze %dma_wait3A_133 : memref<1x1920xf32, #tpu.memory_space<vmem_shared>> -> memref<1920xf32, #tpu.memory_space<vmem_shared>>
      tpu.wait_dma2 semaphore(%run_scoped3A_128 : memref<!tpu.dma_semaphore, #tpu.memory_space<semaphore_mem>>) src(%dma_wait3A_134 : memref<1920xf32, #tpu.memory_space<vmem_shared>>) dst(%arg10 : memref<1920xf32, #tpu.memory_space<vmem>>)
      tpu.yield
    }) : () -> ()
    %scan3A_24 = arith.constant 0 : i32
    %scan3A_25 = arith.constant 0 : i32
    %scan3A_26 = arith.constant 120 : i32
    %scan3A_27 = arith.addi %scan3A_25, %scan3A_26 : i32
    %scan3A_28 = arith.constant 1 : i32
    scf.for %scan3A_128 = %scan3A_25 to %scan3A_27 step %scan3A_28  : i32 {
      %mul3A_129 = arith.constant 16 : i32
      %mul3A_130 = arith.muli %scan3A_128, %mul3A_129 : i32
      %get3A = arith.index_cast %mul3A_130 : i32 to index
      %get3A_131 = tpu.vector_load %arg9[%get3A] {strides = array<i32>} : memref<1920xf32, #tpu.memory_space<vmem>>, vector<16xf32>,
      %mul3A_132 = arith.constant 16 : i32
      %mul3A_133 = arith.muli %scan3A_128, %mul3A_132 : i32
      %get3A_134 = arith.index_cast %mul3A_133 : i32 to index
      %get3A_135 = tpu.vector_load %arg10[%get3A_134] {strides = array<i32>} : memref<1920xf32, #tpu.memory_space<vmem>>, vector<16xf32>,
      %add3A_136 = arith.addf %get3A_131, %get3A_135 : vector<16xf32>
      %mul3A_137 = arith.constant 16 : i32
      %mul3A_138 = arith.muli %scan3A_128, %mul3A_137 : i32
      %swap3A = arith.index_cast %mul3A_138 : i32 to index
      %swap3A_139 = tpu.vector_load %arg9[%swap3A] {strides = array<i32>} : memref<1920xf32, #tpu.memory_space<vmem>>, vector<16xf32>,
      tpu.vector_store %arg9[%swap3A], %add3A_136 {strides = array<i32>} : memref<1920xf32, #tpu.memory_space<vmem>>, vector<16xf32>,
    }
    %scan3A_29 = arith.constant 120 : i32
    %run_scoped3A_30 = arith.constant 2 : i32
    "tpu.region"() ({
      %run_scoped3A_128 = tpu.sem_alloc : memref<!tpu.dma_semaphore, #tpu.memory_space<semaphore_mem>>
      %dma_start3A = tpu.memref_slice %arg8[%run_scoped3A_30, %mul3A_22] : memref<16x30720xf32, #tpu.memory_space<vmem_shared>> -> memref<1x1920xf32, #tpu.memory_space<vmem_shared>>
      %dma_start3A_129 = tpu.memref_squeeze %dma_start3A : memref<1x1920xf32, #tpu.memory_space<vmem_shared>> -> memref<1920xf32, #tpu.memory_space<vmem_shared>>
      %dma_start3A_130 = tpu.memref_slice %arg8[%run_scoped3A_30, %mul3A_22] : memref<16x30720xf32, #tpu.memory_space<vmem_shared>> -> memref<1x1920xf32, #tpu.memory_space<vmem_shared>>
      %dma_start3A_131 = tpu.memref_squeeze %dma_start3A_130 : memref<1x1920xf32, #tpu.memory_space<vmem_shared>> -> memref<1920xf32, #tpu.memory_space<vmem_shared>>
      tpu.enqueue_dma source(%dma_start3A_131 : memref<1920xf32, #tpu.memory_space<vmem_shared>>) target(%arg10 : memref<1920xf32, #tpu.memory_space<vmem>>) target_semaphore(%run_scoped3A_128 : memref<!tpu.dma_semaphore, #tpu.memory_space<semaphore_mem>>)
      %dma_wait3A = tpu.memref_slice %arg8[%run_scoped3A_30, %mul3A_22] : memref<16x30720xf32, #tpu.memory_space<vmem_shared>> -> memref<1x1920xf32, #tpu.memory_space<vmem_shared>>
      %dma_wait3A_132 = tpu.memref_squeeze %dma_wait3A : memref<1x1920xf32, #tpu.memory_space<vmem_shared>> -> memref<1920xf32, #tpu.memory_space<vmem_shared>>
      %dma_wait3A_133 = tpu.memref_slice %arg8[%run_scoped3A_30, %mul3A_22] : memref<16x30720xf32, #tpu.memory_space<vmem_shared>> -> memref<1x1920xf32, #tpu.memory_space<vmem_shared>>
      %dma_wait3A_134 = tpu.memref_squeeze %dma_wait3A_133 : memref<1x1920xf32, #tpu.memory_space<vmem_shared>> -> memref<1920xf32, #tpu.memory_space<vmem_shared>>
      tpu.wait_dma2 semaphore(%run_scoped3A_128 : memref<!tpu.dma_semaphore, #tpu.memory_space<semaphore_mem>>) src(%dma_wait3A_134 : memref<1920xf32, #tpu.memory_space<vmem_shared>>) dst(%arg10 : memref<1920xf32, #tpu.memory_space<vmem>>)
      tpu.yield
    }) : () -> ()
    %scan3A_31 = arith.constant 0 : i32
    %scan3A_32 = arith.constant 0 : i32
    %scan3A_33 = arith.constant 120 : i32
    %scan3A_34 = arith.addi %scan3A_32, %scan3A_33 : i32
    %scan3A_35 = arith.constant 1 : i32
    scf.for %scan3A_128 = %scan3A_32 to %scan3A_34 step %scan3A_35  : i32 {
      %mul3A_129 = arith.constant 16 : i32
      %mul3A_130 = arith.muli %scan3A_128, %mul3A_129 : i32
      %get3A = arith.index_cast %mul3A_130 : i32 to index
      %get3A_131 = tpu.vector_load %arg9[%get3A] {strides = array<i32>} : memref<1920xf32, #tpu.memory_space<vmem>>, vector<16xf32>,
      %mul3A_132 = arith.constant 16 : i32
      %mul3A_133 = arith.muli %scan3A_128, %mul3A_132 : i32
      %get3A_134 = arith.index_cast %mul3A_133 : i32 to index
      %get3A_135 = tpu.vector_load %arg10[%get3A_134] {strides = array<i32>} : memref<1920xf32, #tpu.memory_space<vmem>>, vector<16xf32>,
      %add3A_136 = arith.addf %get3A_131, %get3A_135 : vector<16xf32>
      %mul3A_137 = arith.constant 16 : i32
      %mul3A_138 = arith.muli %scan3A_128, %mul3A_137 : i32
      %swap3A = arith.index_cast %mul3A_138 : i32 to index
      %swap3A_139 = tpu.vector_load %arg9[%swap3A] {strides = array<i32>} : memref<1920xf32, #tpu.memory_space<vmem>>, vector<16xf32>,
      tpu.vector_store %arg9[%swap3A], %add3A_136 {strides = array<i32>} : memref<1920xf32, #tpu.memory_space<vmem>>, vector<16xf32>,
    }
    %scan3A_36 = arith.constant 120 : i32
    %run_scoped3A_37 = arith.constant 3 : i32
    "tpu.region"() ({
      %run_scoped3A_128 = tpu.sem_alloc : memref<!tpu.dma_semaphore, #tpu.memory_space<semaphore_mem>>
      %dma_start3A = tpu.memref_slice %arg8[%run_scoped3A_37, %mul3A_22] : memref<16x30720xf32, #tpu.memory_space<vmem_shared>> -> memref<1x1920xf32, #tpu.memory_space<vmem_shared>>
      %dma_start3A_129 = tpu.memref_squeeze %dma_start3A : memref<1x1920xf32, #tpu.memory_space<vmem_shared>> -> memref<1920xf32, #tpu.memory_space<vmem_shared>>
      %dma_start3A_130 = tpu.memref_slice %arg8[%run_scoped3A_37, %mul3A_22] : memref<16x30720xf32, #tpu.memory_space<vmem_shared>> -> memref<1x1920xf32, #tpu.memory_space<vmem_shared>>
      %dma_start3A_131 = tpu.memref_squeeze %dma_start3A_130 : memref<1x1920xf32, #tpu.memory_space<vmem_shared>> -> memref<1920xf32, #tpu.memory_space<vmem_shared>>
      tpu.enqueue_dma source(%dma_start3A_131 : memref<1920xf32, #tpu.memory_space<vmem_shared>>) target(%arg10 : memref<1920xf32, #tpu.memory_space<vmem>>) target_semaphore(%run_scoped3A_128 : memref<!tpu.dma_semaphore, #tpu.memory_space<semaphore_mem>>)
      %dma_wait3A = tpu.memref_slice %arg8[%run_scoped3A_37, %mul3A_22] : memref<16x30720xf32, #tpu.memory_space<vmem_shared>> -> memref<1x1920xf32, #tpu.memory_space<vmem_shared>>
      %dma_wait3A_132 = tpu.memref_squeeze %dma_wait3A : memref<1x1920xf32, #tpu.memory_space<vmem_shared>> -> memref<1920xf32, #tpu.memory_space<vmem_shared>>
      %dma_wait3A_133 = tpu.memref_slice %arg8[%run_scoped3A_37, %mul3A_22] : memref<16x30720xf32, #tpu.memory_space<vmem_shared>> -> memref<1x1920xf32, #tpu.memory_space<vmem_shared>>
      %dma_wait3A_134 = tpu.memref_squeeze %dma_wait3A_133 : memref<1x1920xf32, #tpu.memory_space<vmem_shared>> -> memref<1920xf32, #tpu.memory_space<vmem_shared>>
      tpu.wait_dma2 semaphore(%run_scoped3A_128 : memref<!tpu.dma_semaphore, #tpu.memory_space<semaphore_mem>>) src(%dma_wait3A_134 : memref<1920xf32, #tpu.memory_space<vmem_shared>>) dst(%arg10 : memref<1920xf32, #tpu.memory_space<vmem>>)
      tpu.yield
    }) : () -> ()
    %scan3A_38 = arith.constant 0 : i32
    %scan3A_39 = arith.constant 0 : i32
    %scan3A_40 = arith.constant 120 : i32
    %scan3A_41 = arith.addi %scan3A_39, %scan3A_40 : i32
    %scan3A_42 = arith.constant 1 : i32
    scf.for %scan3A_128 = %scan3A_39 to %scan3A_41 step %scan3A_42  : i32 {
      %mul3A_129 = arith.constant 16 : i32
      %mul3A_130 = arith.muli %scan3A_128, %mul3A_129 : i32
      %get3A = arith.index_cast %mul3A_130 : i32 to index
      %get3A_131 = tpu.vector_load %arg9[%get3A] {strides = array<i32>} : memref<1920xf32, #tpu.memory_space<vmem>>, vector<16xf32>,
      %mul3A_132 = arith.constant 16 : i32
      %mul3A_133 = arith.muli %scan3A_128, %mul3A_132 : i32
      %get3A_134 = arith.index_cast %mul3A_133 : i32 to index
      %get3A_135 = tpu.vector_load %arg10[%get3A_134] {strides = array<i32>} : memref<1920xf32, #tpu.memory_space<vmem>>, vector<16xf32>,
      %add3A_136 = arith.addf %get3A_131, %get3A_135 : vector<16xf32>
      %mul3A_137 = arith.constant 16 : i32
      %mul3A_138 = arith.muli %scan3A_128, %mul3A_137 : i32
      %swap3A = arith.index_cast %mul3A_138 : i32 to index
      %swap3A_139 = tpu.vector_load %arg9[%swap3A] {strides = array<i32>} : memref<1920xf32, #tpu.memory_space<vmem>>, vector<16xf32>,
      tpu.vector_store %arg9[%swap3A], %add3A_136 {strides = array<i32>} : memref<1920xf32, #tpu.memory_space<vmem>>, vector<16xf32>,
    }
    %scan3A_43 = arith.constant 120 : i32
    %run_scoped3A_44 = arith.constant 4 : i32
    "tpu.region"() ({
      %run_scoped3A_128 = tpu.sem_alloc : memref<!tpu.dma_semaphore, #tpu.memory_space<semaphore_mem>>
      %dma_start3A = tpu.memref_slice %arg8[%run_scoped3A_44, %mul3A_22] : memref<16x30720xf32, #tpu.memory_space<vmem_shared>> -> memref<1x1920xf32, #tpu.memory_space<vmem_shared>>
      %dma_start3A_129 = tpu.memref_squeeze %dma_start3A : memref<1x1920xf32, #tpu.memory_space<vmem_shared>> -> memref<1920xf32, #tpu.memory_space<vmem_shared>>
      %dma_start3A_130 = tpu.memref_slice %arg8[%run_scoped3A_44, %mul3A_22] : memref<16x30720xf32, #tpu.memory_space<vmem_shared>> -> memref<1x1920xf32, #tpu.memory_space<vmem_shared>>
      %dma_start3A_131 = tpu.memref_squeeze %dma_start3A_130 : memref<1x1920xf32, #tpu.memory_space<vmem_shared>> -> memref<1920xf32, #tpu.memory_space<vmem_shared>>
      tpu.enqueue_dma source(%dma_start3A_131 : memref<1920xf32, #tpu.memory_space<vmem_shared>>) target(%arg10 : memref<1920xf32, #tpu.memory_space<vmem>>) target_semaphore(%run_scoped3A_128 : memref<!tpu.dma_semaphore, #tpu.memory_space<semaphore_mem>>)
      %dma_wait3A = tpu.memref_slice %arg8[%run_scoped3A_44, %mul3A_22] : memref<16x30720xf32, #tpu.memory_space<vmem_shared>> -> memref<1x1920xf32, #tpu.memory_space<vmem_shared>>
      %dma_wait3A_132 = tpu.memref_squeeze %dma_wait3A : memref<1x1920xf32, #tpu.memory_space<vmem_shared>> -> memref<1920xf32, #tpu.memory_space<vmem_shared>>
      %dma_wait3A_133 = tpu.memref_slice %arg8[%run_scoped3A_44, %mul3A_22] : memref<16x30720xf32, #tpu.memory_space<vmem_shared>> -> memref<1x1920xf32, #tpu.memory_space<vmem_shared>>
      %dma_wait3A_134 = tpu.memref_squeeze %dma_wait3A_133 : memref<1x1920xf32, #tpu.memory_space<vmem_shared>> -> memref<1920xf32, #tpu.memory_space<vmem_shared>>
      tpu.wait_dma2 semaphore(%run_scoped3A_128 : memref<!tpu.dma_semaphore, #tpu.memory_space<semaphore_mem>>) src(%dma_wait3A_134 : memref<1920xf32, #tpu.memory_space<vmem_shared>>) dst(%arg10 : memref<1920xf32, #tpu.memory_space<vmem>>)
      tpu.yield
    }) : () -> ()
    %scan3A_45 = arith.constant 0 : i32
    %scan3A_46 = arith.constant 0 : i32
    %scan3A_47 = arith.constant 120 : i32
    %scan3A_48 = arith.addi %scan3A_46, %scan3A_47 : i32
    %scan3A_49 = arith.constant 1 : i32
    scf.for %scan3A_128 = %scan3A_46 to %scan3A_48 step %scan3A_49  : i32 {
      %mul3A_129 = arith.constant 16 : i32
      %mul3A_130 = arith.muli %scan3A_128, %mul3A_129 : i32
      %get3A = arith.index_cast %mul3A_130 : i32 to index
      %get3A_131 = tpu.vector_load %arg9[%get3A] {strides = array<i32>} : memref<1920xf32, #tpu.memory_space<vmem>>, vector<16xf32>,
      %mul3A_132 = arith.constant 16 : i32
      %mul3A_133 = arith.muli %scan3A_128, %mul3A_132 : i32
      %get3A_134 = arith.index_cast %mul3A_133 : i32 to index
      %get3A_135 = tpu.vector_load %arg10[%get3A_134] {strides = array<i32>} : memref<1920xf32, #tpu.memory_space<vmem>>, vector<16xf32>,
      %add3A_136 = arith.addf %get3A_131, %get3A_135 : vector<16xf32>
      %mul3A_137 = arith.constant 16 : i32
      %mul3A_138 = arith.muli %scan3A_128, %mul3A_137 : i32
      %swap3A = arith.index_cast %mul3A_138 : i32 to index
      %swap3A_139 = tpu.vector_load %arg9[%swap3A] {strides = array<i32>} : memref<1920xf32, #tpu.memory_space<vmem>>, vector<16xf32>,
      tpu.vector_store %arg9[%swap3A], %add3A_136 {strides = array<i32>} : memref<1920xf32, #tpu.memory_space<vmem>>, vector<16xf32>,
    }
    %scan3A_50 = arith.constant 120 : i32
    %run_scoped3A_51 = arith.constant 5 : i32
    "tpu.region"() ({
      %run_scoped3A_128 = tpu.sem_alloc : memref<!tpu.dma_semaphore, #tpu.memory_space<semaphore_mem>>
      %dma_start3A = tpu.memref_slice %arg8[%run_scoped3A_51, %mul3A_22] : memref<16x30720xf32, #tpu.memory_space<vmem_shared>> -> memref<1x1920xf32, #tpu.memory_space<vmem_shared>>
      %dma_start3A_129 = tpu.memref_squeeze %dma_start3A : memref<1x1920xf32, #tpu.memory_space<vmem_shared>> -> memref<1920xf32, #tpu.memory_space<vmem_shared>>
      %dma_start3A_130 = tpu.memref_slice %arg8[%run_scoped3A_51, %mul3A_22] : memref<16x30720xf32, #tpu.memory_space<vmem_shared>> -> memref<1x1920xf32, #tpu.memory_space<vmem_shared>>
      %dma_start3A_131 = tpu.memref_squeeze %dma_start3A_130 : memref<1x1920xf32, #tpu.memory_space<vmem_shared>> -> memref<1920xf32, #tpu.memory_space<vmem_shared>>
      tpu.enqueue_dma source(%dma_start3A_131 : memref<1920xf32, #tpu.memory_space<vmem_shared>>) target(%arg10 : memref<1920xf32, #tpu.memory_space<vmem>>) target_semaphore(%run_scoped3A_128 : memref<!tpu.dma_semaphore, #tpu.memory_space<semaphore_mem>>)
      %dma_wait3A = tpu.memref_slice %arg8[%run_scoped3A_51, %mul3A_22] : memref<16x30720xf32, #tpu.memory_space<vmem_shared>> -> memref<1x1920xf32, #tpu.memory_space<vmem_shared>>
      %dma_wait3A_132 = tpu.memref_squeeze %dma_wait3A : memref<1x1920xf32, #tpu.memory_space<vmem_shared>> -> memref<1920xf32, #tpu.memory_space<vmem_shared>>
      %dma_wait3A_133 = tpu.memref_slice %arg8[%run_scoped3A_51, %mul3A_22] : memref<16x30720xf32, #tpu.memory_space<vmem_shared>> -> memref<1x1920xf32, #tpu.memory_space<vmem_shared>>
      %dma_wait3A_134 = tpu.memref_squeeze %dma_wait3A_133 : memref<1x1920xf32, #tpu.memory_space<vmem_shared>> -> memref<1920xf32, #tpu.memory_space<vmem_shared>>
      tpu.wait_dma2 semaphore(%run_scoped3A_128 : memref<!tpu.dma_semaphore, #tpu.memory_space<semaphore_mem>>) src(%dma_wait3A_134 : memref<1920xf32, #tpu.memory_space<vmem_shared>>) dst(%arg10 : memref<1920xf32, #tpu.memory_space<vmem>>)
      tpu.yield
    }) : () -> ()
    %scan3A_52 = arith.constant 0 : i32
    %scan3A_53 = arith.constant 0 : i32
    %scan3A_54 = arith.constant 120 : i32
    %scan3A_55 = arith.addi %scan3A_53, %scan3A_54 : i32
    %scan3A_56 = arith.constant 1 : i32
    scf.for %scan3A_128 = %scan3A_53 to %scan3A_55 step %scan3A_56  : i32 {
      %mul3A_129 = arith.constant 16 : i32
      %mul3A_130 = arith.muli %scan3A_128, %mul3A_129 : i32
      %get3A = arith.index_cast %mul3A_130 : i32 to index
      %get3A_131 = tpu.vector_load %arg9[%get3A] {strides = array<i32>} : memref<1920xf32, #tpu.memory_space<vmem>>, vector<16xf32>,
      %mul3A_132 = arith.constant 16 : i32
      %mul3A_133 = arith.muli %scan3A_128, %mul3A_132 : i32
      %get3A_134 = arith.index_cast %mul3A_133 : i32 to index
      %get3A_135 = tpu.vector_load %arg10[%get3A_134] {strides = array<i32>} : memref<1920xf32, #tpu.memory_space<vmem>>, vector<16xf32>,
      %add3A_136 = arith.addf %get3A_131, %get3A_135 : vector<16xf32>
      %mul3A_137 = arith.constant 16 : i32
      %mul3A_138 = arith.muli %scan3A_128, %mul3A_137 : i32
      %swap3A = arith.index_cast %mul3A_138 : i32 to index
      %swap3A_139 = tpu.vector_load %arg9[%swap3A] {strides = array<i32>} : memref<1920xf32, #tpu.memory_space<vmem>>, vector<16xf32>,
      tpu.vector_store %arg9[%swap3A], %add3A_136 {strides = array<i32>} : memref<1920xf32, #tpu.memory_space<vmem>>, vector<16xf32>,
    }
    %scan3A_57 = arith.constant 120 : i32
    %run_scoped3A_58 = arith.constant 6 : i32
    "tpu.region"() ({
      %run_scoped3A_128 = tpu.sem_alloc : memref<!tpu.dma_semaphore, #tpu.memory_space<semaphore_mem>>
      %dma_start3A = tpu.memref_slice %arg8[%run_scoped3A_58, %mul3A_22] : memref<16x30720xf32, #tpu.memory_space<vmem_shared>> -> memref<1x1920xf32, #tpu.memory_space<vmem_shared>>
      %dma_start3A_129 = tpu.memref_squeeze %dma_start3A : memref<1x1920xf32, #tpu.memory_space<vmem_shared>> -> memref<1920xf32, #tpu.memory_space<vmem_shared>>
      %dma_start3A_130 = tpu.memref_slice %arg8[%run_scoped3A_58, %mul3A_22] : memref<16x30720xf32, #tpu.memory_space<vmem_shared>> -> memref<1x1920xf32, #tpu.memory_space<vmem_shared>>
      %dma_start3A_131 = tpu.memref_squeeze %dma_start3A_130 : memref<1x1920xf32, #tpu.memory_space<vmem_shared>> -> memref<1920xf32, #tpu.memory_space<vmem_shared>>
      tpu.enqueue_dma source(%dma_start3A_131 : memref<1920xf32, #tpu.memory_space<vmem_shared>>) target(%arg10 : memref<1920xf32, #tpu.memory_space<vmem>>) target_semaphore(%run_scoped3A_128 : memref<!tpu.dma_semaphore, #tpu.memory_space<semaphore_mem>>)
      %dma_wait3A = tpu.memref_slice %arg8[%run_scoped3A_58, %mul3A_22] : memref<16x30720xf32, #tpu.memory_space<vmem_shared>> -> memref<1x1920xf32, #tpu.memory_space<vmem_shared>>
      %dma_wait3A_132 = tpu.memref_squeeze %dma_wait3A : memref<1x1920xf32, #tpu.memory_space<vmem_shared>> -> memref<1920xf32, #tpu.memory_space<vmem_shared>>
      %dma_wait3A_133 = tpu.memref_slice %arg8[%run_scoped3A_58, %mul3A_22] : memref<16x30720xf32, #tpu.memory_space<vmem_shared>> -> memref<1x1920xf32, #tpu.memory_space<vmem_shared>>
      %dma_wait3A_134 = tpu.memref_squeeze %dma_wait3A_133 : memref<1x1920xf32, #tpu.memory_space<vmem_shared>> -> memref<1920xf32, #tpu.memory_space<vmem_shared>>
      tpu.wait_dma2 semaphore(%run_scoped3A_128 : memref<!tpu.dma_semaphore, #tpu.memory_space<semaphore_mem>>) src(%dma_wait3A_134 : memref<1920xf32, #tpu.memory_space<vmem_shared>>) dst(%arg10 : memref<1920xf32, #tpu.memory_space<vmem>>)
      tpu.yield
    }) : () -> ()
    %scan3A_59 = arith.constant 0 : i32
    %scan3A_60 = arith.constant 0 : i32
    %scan3A_61 = arith.constant 120 : i32
    %scan3A_62 = arith.addi %scan3A_60, %scan3A_61 : i32
    %scan3A_63 = arith.constant 1 : i32
    scf.for %scan3A_128 = %scan3A_60 to %scan3A_62 step %scan3A_63  : i32 {
      %mul3A_129 = arith.constant 16 : i32
      %mul3A_130 = arith.muli %scan3A_128, %mul3A_129 : i32
      %get3A = arith.index_cast %mul3A_130 : i32 to index
      %get3A_131 = tpu.vector_load %arg9[%get3A] {strides = array<i32>} : memref<1920xf32, #tpu.memory_space<vmem>>, vector<16xf32>,
      %mul3A_132 = arith.constant 16 : i32
      %mul3A_133 = arith.muli %scan3A_128, %mul3A_132 : i32
      %get3A_134 = arith.index_cast %mul3A_133 : i32 to index
      %get3A_135 = tpu.vector_load %arg10[%get3A_134] {strides = array<i32>} : memref<1920xf32, #tpu.memory_space<vmem>>, vector<16xf32>,
      %add3A_136 = arith.addf %get3A_131, %get3A_135 : vector<16xf32>
      %mul3A_137 = arith.constant 16 : i32
      %mul3A_138 = arith.muli %scan3A_128, %mul3A_137 : i32
      %swap3A = arith.index_cast %mul3A_138 : i32 to index
      %swap3A_139 = tpu.vector_load %arg9[%swap3A] {strides = array<i32>} : memref<1920xf32, #tpu.memory_space<vmem>>, vector<16xf32>,
      tpu.vector_store %arg9[%swap3A], %add3A_136 {strides = array<i32>} : memref<1920xf32, #tpu.memory_space<vmem>>, vector<16xf32>,
    }
    %scan3A_64 = arith.constant 120 : i32
    %run_scoped3A_65 = arith.constant 7 : i32
    "tpu.region"() ({
      %run_scoped3A_128 = tpu.sem_alloc : memref<!tpu.dma_semaphore, #tpu.memory_space<semaphore_mem>>
      %dma_start3A = tpu.memref_slice %arg8[%run_scoped3A_65, %mul3A_22] : memref<16x30720xf32, #tpu.memory_space<vmem_shared>> -> memref<1x1920xf32, #tpu.memory_space<vmem_shared>>
      %dma_start3A_129 = tpu.memref_squeeze %dma_start3A : memref<1x1920xf32, #tpu.memory_space<vmem_shared>> -> memref<1920xf32, #tpu.memory_space<vmem_shared>>
      %dma_start3A_130 = tpu.memref_slice %arg8[%run_scoped3A_65, %mul3A_22] : memref<16x30720xf32, #tpu.memory_space<vmem_shared>> -> memref<1x1920xf32, #tpu.memory_space<vmem_shared>>
      %dma_start3A_131 = tpu.memref_squeeze %dma_start3A_130 : memref<1x1920xf32, #tpu.memory_space<vmem_shared>> -> memref<1920xf32, #tpu.memory_space<vmem_shared>>
      tpu.enqueue_dma source(%dma_start3A_131 : memref<1920xf32, #tpu.memory_space<vmem_shared>>) target(%arg10 : memref<1920xf32, #tpu.memory_space<vmem>>) target_semaphore(%run_scoped3A_128 : memref<!tpu.dma_semaphore, #tpu.memory_space<semaphore_mem>>)
      %dma_wait3A = tpu.memref_slice %arg8[%run_scoped3A_65, %mul3A_22] : memref<16x30720xf32, #tpu.memory_space<vmem_shared>> -> memref<1x1920xf32, #tpu.memory_space<vmem_shared>>
      %dma_wait3A_132 = tpu.memref_squeeze %dma_wait3A : memref<1x1920xf32, #tpu.memory_space<vmem_shared>> -> memref<1920xf32, #tpu.memory_space<vmem_shared>>
      %dma_wait3A_133 = tpu.memref_slice %arg8[%run_scoped3A_65, %mul3A_22] : memref<16x30720xf32, #tpu.memory_space<vmem_shared>> -> memref<1x1920xf32, #tpu.memory_space<vmem_shared>>
      %dma_wait3A_134 = tpu.memref_squeeze %dma_wait3A_133 : memref<1x1920xf32, #tpu.memory_space<vmem_shared>> -> memref<1920xf32, #tpu.memory_space<vmem_shared>>
      tpu.wait_dma2 semaphore(%run_scoped3A_128 : memref<!tpu.dma_semaphore, #tpu.memory_space<semaphore_mem>>) src(%dma_wait3A_134 : memref<1920xf32, #tpu.memory_space<vmem_shared>>) dst(%arg10 : memref<1920xf32, #tpu.memory_space<vmem>>)
      tpu.yield
    }) : () -> ()
    %scan3A_66 = arith.constant 0 : i32
    %scan3A_67 = arith.constant 0 : i32
    %scan3A_68 = arith.constant 120 : i32
    %scan3A_69 = arith.addi %scan3A_67, %scan3A_68 : i32
    %scan3A_70 = arith.constant 1 : i32
    scf.for %scan3A_128 = %scan3A_67 to %scan3A_69 step %scan3A_70  : i32 {
      %mul3A_129 = arith.constant 16 : i32
      %mul3A_130 = arith.muli %scan3A_128, %mul3A_129 : i32
      %get3A = arith.index_cast %mul3A_130 : i32 to index
      %get3A_131 = tpu.vector_load %arg9[%get3A] {strides = array<i32>} : memref<1920xf32, #tpu.memory_space<vmem>>, vector<16xf32>,
      %mul3A_132 = arith.constant 16 : i32
      %mul3A_133 = arith.muli %scan3A_128, %mul3A_132 : i32
      %get3A_134 = arith.index_cast %mul3A_133 : i32 to index
      %get3A_135 = tpu.vector_load %arg10[%get3A_134] {strides = array<i32>} : memref<1920xf32, #tpu.memory_space<vmem>>, vector<16xf32>,
      %add3A_136 = arith.addf %get3A_131, %get3A_135 : vector<16xf32>
      %mul3A_137 = arith.constant 16 : i32
      %mul3A_138 = arith.muli %scan3A_128, %mul3A_137 : i32
      %swap3A = arith.index_cast %mul3A_138 : i32 to index
      %swap3A_139 = tpu.vector_load %arg9[%swap3A] {strides = array<i32>} : memref<1920xf32, #tpu.memory_space<vmem>>, vector<16xf32>,
      tpu.vector_store %arg9[%swap3A], %add3A_136 {strides = array<i32>} : memref<1920xf32, #tpu.memory_space<vmem>>, vector<16xf32>,
    }
    %scan3A_71 = arith.constant 120 : i32
    %run_scoped3A_72 = arith.constant 8 : i32
    "tpu.region"() ({
      %run_scoped3A_128 = tpu.sem_alloc : memref<!tpu.dma_semaphore, #tpu.memory_space<semaphore_mem>>
      %dma_start3A = tpu.memref_slice %arg8[%run_scoped3A_72, %mul3A_22] : memref<16x30720xf32, #tpu.memory_space<vmem_shared>> -> memref<1x1920xf32, #tpu.memory_space<vmem_shared>>
      %dma_start3A_129 = tpu.memref_squeeze %dma_start3A : memref<1x1920xf32, #tpu.memory_space<vmem_shared>> -> memref<1920xf32, #tpu.memory_space<vmem_shared>>
      %dma_start3A_130 = tpu.memref_slice %arg8[%run_scoped3A_72, %mul3A_22] : memref<16x30720xf32, #tpu.memory_space<vmem_shared>> -> memref<1x1920xf32, #tpu.memory_space<vmem_shared>>
      %dma_start3A_131 = tpu.memref_squeeze %dma_start3A_130 : memref<1x1920xf32, #tpu.memory_space<vmem_shared>> -> memref<1920xf32, #tpu.memory_space<vmem_shared>>
      tpu.enqueue_dma source(%dma_start3A_131 : memref<1920xf32, #tpu.memory_space<vmem_shared>>) target(%arg10 : memref<1920xf32, #tpu.memory_space<vmem>>) target_semaphore(%run_scoped3A_128 : memref<!tpu.dma_semaphore, #tpu.memory_space<semaphore_mem>>)
      %dma_wait3A = tpu.memref_slice %arg8[%run_scoped3A_72, %mul3A_22] : memref<16x30720xf32, #tpu.memory_space<vmem_shared>> -> memref<1x1920xf32, #tpu.memory_space<vmem_shared>>
      %dma_wait3A_132 = tpu.memref_squeeze %dma_wait3A : memref<1x1920xf32, #tpu.memory_space<vmem_shared>> -> memref<1920xf32, #tpu.memory_space<vmem_shared>>
      %dma_wait3A_133 = tpu.memref_slice %arg8[%run_scoped3A_72, %mul3A_22] : memref<16x30720xf32, #tpu.memory_space<vmem_shared>> -> memref<1x1920xf32, #tpu.memory_space<vmem_shared>>
      %dma_wait3A_134 = tpu.memref_squeeze %dma_wait3A_133 : memref<1x1920xf32, #tpu.memory_space<vmem_shared>> -> memref<1920xf32, #tpu.memory_space<vmem_shared>>
      tpu.wait_dma2 semaphore(%run_scoped3A_128 : memref<!tpu.dma_semaphore, #tpu.memory_space<semaphore_mem>>) src(%dma_wait3A_134 : memref<1920xf32, #tpu.memory_space<vmem_shared>>) dst(%arg10 : memref<1920xf32, #tpu.memory_space<vmem>>)
      tpu.yield
    }) : () -> ()
    %scan3A_73 = arith.constant 0 : i32
    %scan3A_74 = arith.constant 0 : i32
    %scan3A_75 = arith.constant 120 : i32
    %scan3A_76 = arith.addi %scan3A_74, %scan3A_75 : i32
    %scan3A_77 = arith.constant 1 : i32
    scf.for %scan3A_128 = %scan3A_74 to %scan3A_76 step %scan3A_77  : i32 {
      %mul3A_129 = arith.constant 16 : i32
      %mul3A_130 = arith.muli %scan3A_128, %mul3A_129 : i32
      %get3A = arith.index_cast %mul3A_130 : i32 to index
      %get3A_131 = tpu.vector_load %arg9[%get3A] {strides = array<i32>} : memref<1920xf32, #tpu.memory_space<vmem>>, vector<16xf32>,
      %mul3A_132 = arith.constant 16 : i32
      %mul3A_133 = arith.muli %scan3A_128, %mul3A_132 : i32
      %get3A_134 = arith.index_cast %mul3A_133 : i32 to index
      %get3A_135 = tpu.vector_load %arg10[%get3A_134] {strides = array<i32>} : memref<1920xf32, #tpu.memory_space<vmem>>, vector<16xf32>,
      %add3A_136 = arith.addf %get3A_131, %get3A_135 : vector<16xf32>
      %mul3A_137 = arith.constant 16 : i32
      %mul3A_138 = arith.muli %scan3A_128, %mul3A_137 : i32
      %swap3A = arith.index_cast %mul3A_138 : i32 to index
      %swap3A_139 = tpu.vector_load %arg9[%swap3A] {strides = array<i32>} : memref<1920xf32, #tpu.memory_space<vmem>>, vector<16xf32>,
      tpu.vector_store %arg9[%swap3A], %add3A_136 {strides = array<i32>} : memref<1920xf32, #tpu.memory_space<vmem>>, vector<16xf32>,
    }
    %scan3A_78 = arith.constant 120 : i32
    %run_scoped3A_79 = arith.constant 9 : i32
    "tpu.region"() ({
      %run_scoped3A_128 = tpu.sem_alloc : memref<!tpu.dma_semaphore, #tpu.memory_space<semaphore_mem>>
      %dma_start3A = tpu.memref_slice %arg8[%run_scoped3A_79, %mul3A_22] : memref<16x30720xf32, #tpu.memory_space<vmem_shared>> -> memref<1x1920xf32, #tpu.memory_space<vmem_shared>>
      %dma_start3A_129 = tpu.memref_squeeze %dma_start3A : memref<1x1920xf32, #tpu.memory_space<vmem_shared>> -> memref<1920xf32, #tpu.memory_space<vmem_shared>>
      %dma_start3A_130 = tpu.memref_slice %arg8[%run_scoped3A_79, %mul3A_22] : memref<16x30720xf32, #tpu.memory_space<vmem_shared>> -> memref<1x1920xf32, #tpu.memory_space<vmem_shared>>
      %dma_start3A_131 = tpu.memref_squeeze %dma_start3A_130 : memref<1x1920xf32, #tpu.memory_space<vmem_shared>> -> memref<1920xf32, #tpu.memory_space<vmem_shared>>
      tpu.enqueue_dma source(%dma_start3A_131 : memref<1920xf32, #tpu.memory_space<vmem_shared>>) target(%arg10 : memref<1920xf32, #tpu.memory_space<vmem>>) target_semaphore(%run_scoped3A_128 : memref<!tpu.dma_semaphore, #tpu.memory_space<semaphore_mem>>)
      %dma_wait3A = tpu.memref_slice %arg8[%run_scoped3A_79, %mul3A_22] : memref<16x30720xf32, #tpu.memory_space<vmem_shared>> -> memref<1x1920xf32, #tpu.memory_space<vmem_shared>>
      %dma_wait3A_132 = tpu.memref_squeeze %dma_wait3A : memref<1x1920xf32, #tpu.memory_space<vmem_shared>> -> memref<1920xf32, #tpu.memory_space<vmem_shared>>
      %dma_wait3A_133 = tpu.memref_slice %arg8[%run_scoped3A_79, %mul3A_22] : memref<16x30720xf32, #tpu.memory_space<vmem_shared>> -> memref<1x1920xf32, #tpu.memory_space<vmem_shared>>
      %dma_wait3A_134 = tpu.memref_squeeze %dma_wait3A_133 : memref<1x1920xf32, #tpu.memory_space<vmem_shared>> -> memref<1920xf32, #tpu.memory_space<vmem_shared>>
      tpu.wait_dma2 semaphore(%run_scoped3A_128 : memref<!tpu.dma_semaphore, #tpu.memory_space<semaphore_mem>>) src(%dma_wait3A_134 : memref<1920xf32, #tpu.memory_space<vmem_shared>>) dst(%arg10 : memref<1920xf32, #tpu.memory_space<vmem>>)
      tpu.yield
    }) : () -> ()
    %scan3A_80 = arith.constant 0 : i32
    %scan3A_81 = arith.constant 0 : i32
    %scan3A_82 = arith.constant 120 : i32
    %scan3A_83 = arith.addi %scan3A_81, %scan3A_82 : i32
    %scan3A_84 = arith.constant 1 : i32
    scf.for %scan3A_128 = %scan3A_81 to %scan3A_83 step %scan3A_84  : i32 {
      %mul3A_129 = arith.constant 16 : i32
      %mul3A_130 = arith.muli %scan3A_128, %mul3A_129 : i32
      %get3A = arith.index_cast %mul3A_130 : i32 to index
      %get3A_131 = tpu.vector_load %arg9[%get3A] {strides = array<i32>} : memref<1920xf32, #tpu.memory_space<vmem>>, vector<16xf32>,
      %mul3A_132 = arith.constant 16 : i32
      %mul3A_133 = arith.muli %scan3A_128, %mul3A_132 : i32
      %get3A_134 = arith.index_cast %mul3A_133 : i32 to index
      %get3A_135 = tpu.vector_load %arg10[%get3A_134] {strides = array<i32>} : memref<1920xf32, #tpu.memory_space<vmem>>, vector<16xf32>,
      %add3A_136 = arith.addf %get3A_131, %get3A_135 : vector<16xf32>
      %mul3A_137 = arith.constant 16 : i32
      %mul3A_138 = arith.muli %scan3A_128, %mul3A_137 : i32
      %swap3A = arith.index_cast %mul3A_138 : i32 to index
      %swap3A_139 = tpu.vector_load %arg9[%swap3A] {strides = array<i32>} : memref<1920xf32, #tpu.memory_space<vmem>>, vector<16xf32>,
      tpu.vector_store %arg9[%swap3A], %add3A_136 {strides = array<i32>} : memref<1920xf32, #tpu.memory_space<vmem>>, vector<16xf32>,
    }
    %scan3A_85 = arith.constant 120 : i32
    %run_scoped3A_86 = arith.constant 10 : i32
    "tpu.region"() ({
      %run_scoped3A_128 = tpu.sem_alloc : memref<!tpu.dma_semaphore, #tpu.memory_space<semaphore_mem>>
      %dma_start3A = tpu.memref_slice %arg8[%run_scoped3A_86, %mul3A_22] : memref<16x30720xf32, #tpu.memory_space<vmem_shared>> -> memref<1x1920xf32, #tpu.memory_space<vmem_shared>>
      %dma_start3A_129 = tpu.memref_squeeze %dma_start3A : memref<1x1920xf32, #tpu.memory_space<vmem_shared>> -> memref<1920xf32, #tpu.memory_space<vmem_shared>>
      %dma_start3A_130 = tpu.memref_slice %arg8[%run_scoped3A_86, %mul3A_22] : memref<16x30720xf32, #tpu.memory_space<vmem_shared>> -> memref<1x1920xf32, #tpu.memory_space<vmem_shared>>
      %dma_start3A_131 = tpu.memref_squeeze %dma_start3A_130 : memref<1x1920xf32, #tpu.memory_space<vmem_shared>> -> memref<1920xf32, #tpu.memory_space<vmem_shared>>
      tpu.enqueue_dma source(%dma_start3A_131 : memref<1920xf32, #tpu.memory_space<vmem_shared>>) target(%arg10 : memref<1920xf32, #tpu.memory_space<vmem>>) target_semaphore(%run_scoped3A_128 : memref<!tpu.dma_semaphore, #tpu.memory_space<semaphore_mem>>)
      %dma_wait3A = tpu.memref_slice %arg8[%run_scoped3A_86, %mul3A_22] : memref<16x30720xf32, #tpu.memory_space<vmem_shared>> -> memref<1x1920xf32, #tpu.memory_space<vmem_shared>>
      %dma_wait3A_132 = tpu.memref_squeeze %dma_wait3A : memref<1x1920xf32, #tpu.memory_space<vmem_shared>> -> memref<1920xf32, #tpu.memory_space<vmem_shared>>
      %dma_wait3A_133 = tpu.memref_slice %arg8[%run_scoped3A_86, %mul3A_22] : memref<16x30720xf32, #tpu.memory_space<vmem_shared>> -> memref<1x1920xf32, #tpu.memory_space<vmem_shared>>
      %dma_wait3A_134 = tpu.memref_squeeze %dma_wait3A_133 : memref<1x1920xf32, #tpu.memory_space<vmem_shared>> -> memref<1920xf32, #tpu.memory_space<vmem_shared>>
      tpu.wait_dma2 semaphore(%run_scoped3A_128 : memref<!tpu.dma_semaphore, #tpu.memory_space<semaphore_mem>>) src(%dma_wait3A_134 : memref<1920xf32, #tpu.memory_space<vmem_shared>>) dst(%arg10 : memref<1920xf32, #tpu.memory_space<vmem>>)
      tpu.yield
    }) : () -> ()
    %scan3A_87 = arith.constant 0 : i32
    %scan3A_88 = arith.constant 0 : i32
    %scan3A_89 = arith.constant 120 : i32
    %scan3A_90 = arith.addi %scan3A_88, %scan3A_89 : i32
    %scan3A_91 = arith.constant 1 : i32
    scf.for %scan3A_128 = %scan3A_88 to %scan3A_90 step %scan3A_91  : i32 {
      %mul3A_129 = arith.constant 16 : i32
      %mul3A_130 = arith.muli %scan3A_128, %mul3A_129 : i32
      %get3A = arith.index_cast %mul3A_130 : i32 to index
      %get3A_131 = tpu.vector_load %arg9[%get3A] {strides = array<i32>} : memref<1920xf32, #tpu.memory_space<vmem>>, vector<16xf32>,
      %mul3A_132 = arith.constant 16 : i32
      %mul3A_133 = arith.muli %scan3A_128, %mul3A_132 : i32
      %get3A_134 = arith.index_cast %mul3A_133 : i32 to index
      %get3A_135 = tpu.vector_load %arg10[%get3A_134] {strides = array<i32>} : memref<1920xf32, #tpu.memory_space<vmem>>, vector<16xf32>,
      %add3A_136 = arith.addf %get3A_131, %get3A_135 : vector<16xf32>
      %mul3A_137 = arith.constant 16 : i32
      %mul3A_138 = arith.muli %scan3A_128, %mul3A_137 : i32
      %swap3A = arith.index_cast %mul3A_138 : i32 to index
      %swap3A_139 = tpu.vector_load %arg9[%swap3A] {strides = array<i32>} : memref<1920xf32, #tpu.memory_space<vmem>>, vector<16xf32>,
      tpu.vector_store %arg9[%swap3A], %add3A_136 {strides = array<i32>} : memref<1920xf32, #tpu.memory_space<vmem>>, vector<16xf32>,
    }
    %scan3A_92 = arith.constant 120 : i32
    %run_scoped3A_93 = arith.constant 11 : i32
    "tpu.region"() ({
      %run_scoped3A_128 = tpu.sem_alloc : memref<!tpu.dma_semaphore, #tpu.memory_space<semaphore_mem>>
      %dma_start3A = tpu.memref_slice %arg8[%run_scoped3A_93, %mul3A_22] : memref<16x30720xf32, #tpu.memory_space<vmem_shared>> -> memref<1x1920xf32, #tpu.memory_space<vmem_shared>>
      %dma_start3A_129 = tpu.memref_squeeze %dma_start3A : memref<1x1920xf32, #tpu.memory_space<vmem_shared>> -> memref<1920xf32, #tpu.memory_space<vmem_shared>>
      %dma_start3A_130 = tpu.memref_slice %arg8[%run_scoped3A_93, %mul3A_22] : memref<16x30720xf32, #tpu.memory_space<vmem_shared>> -> memref<1x1920xf32, #tpu.memory_space<vmem_shared>>
      %dma_start3A_131 = tpu.memref_squeeze %dma_start3A_130 : memref<1x1920xf32, #tpu.memory_space<vmem_shared>> -> memref<1920xf32, #tpu.memory_space<vmem_shared>>
      tpu.enqueue_dma source(%dma_start3A_131 : memref<1920xf32, #tpu.memory_space<vmem_shared>>) target(%arg10 : memref<1920xf32, #tpu.memory_space<vmem>>) target_semaphore(%run_scoped3A_128 : memref<!tpu.dma_semaphore, #tpu.memory_space<semaphore_mem>>)
      %dma_wait3A = tpu.memref_slice %arg8[%run_scoped3A_93, %mul3A_22] : memref<16x30720xf32, #tpu.memory_space<vmem_shared>> -> memref<1x1920xf32, #tpu.memory_space<vmem_shared>>
      %dma_wait3A_132 = tpu.memref_squeeze %dma_wait3A : memref<1x1920xf32, #tpu.memory_space<vmem_shared>> -> memref<1920xf32, #tpu.memory_space<vmem_shared>>
      %dma_wait3A_133 = tpu.memref_slice %arg8[%run_scoped3A_93, %mul3A_22] : memref<16x30720xf32, #tpu.memory_space<vmem_shared>> -> memref<1x1920xf32, #tpu.memory_space<vmem_shared>>
      %dma_wait3A_134 = tpu.memref_squeeze %dma_wait3A_133 : memref<1x1920xf32, #tpu.memory_space<vmem_shared>> -> memref<1920xf32, #tpu.memory_space<vmem_shared>>
      tpu.wait_dma2 semaphore(%run_scoped3A_128 : memref<!tpu.dma_semaphore, #tpu.memory_space<semaphore_mem>>) src(%dma_wait3A_134 : memref<1920xf32, #tpu.memory_space<vmem_shared>>) dst(%arg10 : memref<1920xf32, #tpu.memory_space<vmem>>)
      tpu.yield
    }) : () -> ()
    %scan3A_94 = arith.constant 0 : i32
    %scan3A_95 = arith.constant 0 : i32
    %scan3A_96 = arith.constant 120 : i32
    %scan3A_97 = arith.addi %scan3A_95, %scan3A_96 : i32
    %scan3A_98 = arith.constant 1 : i32
    scf.for %scan3A_128 = %scan3A_95 to %scan3A_97 step %scan3A_98  : i32 {
      %mul3A_129 = arith.constant 16 : i32
      %mul3A_130 = arith.muli %scan3A_128, %mul3A_129 : i32
      %get3A = arith.index_cast %mul3A_130 : i32 to index
      %get3A_131 = tpu.vector_load %arg9[%get3A] {strides = array<i32>} : memref<1920xf32, #tpu.memory_space<vmem>>, vector<16xf32>,
      %mul3A_132 = arith.constant 16 : i32
      %mul3A_133 = arith.muli %scan3A_128, %mul3A_132 : i32
      %get3A_134 = arith.index_cast %mul3A_133 : i32 to index
      %get3A_135 = tpu.vector_load %arg10[%get3A_134] {strides = array<i32>} : memref<1920xf32, #tpu.memory_space<vmem>>, vector<16xf32>,
      %add3A_136 = arith.addf %get3A_131, %get3A_135 : vector<16xf32>
      %mul3A_137 = arith.constant 16 : i32
      %mul3A_138 = arith.muli %scan3A_128, %mul3A_137 : i32
      %swap3A = arith.index_cast %mul3A_138 : i32 to index
      %swap3A_139 = tpu.vector_load %arg9[%swap3A] {strides = array<i32>} : memref<1920xf32, #tpu.memory_space<vmem>>, vector<16xf32>,
      tpu.vector_store %arg9[%swap3A], %add3A_136 {strides = array<i32>} : memref<1920xf32, #tpu.memory_space<vmem>>, vector<16xf32>,
    }
    %scan3A_99 = arith.constant 120 : i32
    %run_scoped3A_100 = arith.constant 12 : i32
    "tpu.region"() ({
      %run_scoped3A_128 = tpu.sem_alloc : memref<!tpu.dma_semaphore, #tpu.memory_space<semaphore_mem>>
      %dma_start3A = tpu.memref_slice %arg8[%run_scoped3A_100, %mul3A_22] : memref<16x30720xf32, #tpu.memory_space<vmem_shared>> -> memref<1x1920xf32, #tpu.memory_space<vmem_shared>>
      %dma_start3A_129 = tpu.memref_squeeze %dma_start3A : memref<1x1920xf32, #tpu.memory_space<vmem_shared>> -> memref<1920xf32, #tpu.memory_space<vmem_shared>>
      %dma_start3A_130 = tpu.memref_slice %arg8[%run_scoped3A_100, %mul3A_22] : memref<16x30720xf32, #tpu.memory_space<vmem_shared>> -> memref<1x1920xf32, #tpu.memory_space<vmem_shared>>
      %dma_start3A_131 = tpu.memref_squeeze %dma_start3A_130 : memref<1x1920xf32, #tpu.memory_space<vmem_shared>> -> memref<1920xf32, #tpu.memory_space<vmem_shared>>
      tpu.enqueue_dma source(%dma_start3A_131 : memref<1920xf32, #tpu.memory_space<vmem_shared>>) target(%arg10 : memref<1920xf32, #tpu.memory_space<vmem>>) target_semaphore(%run_scoped3A_128 : memref<!tpu.dma_semaphore, #tpu.memory_space<semaphore_mem>>)
      %dma_wait3A = tpu.memref_slice %arg8[%run_scoped3A_100, %mul3A_22] : memref<16x30720xf32, #tpu.memory_space<vmem_shared>> -> memref<1x1920xf32, #tpu.memory_space<vmem_shared>>
      %dma_wait3A_132 = tpu.memref_squeeze %dma_wait3A : memref<1x1920xf32, #tpu.memory_space<vmem_shared>> -> memref<1920xf32, #tpu.memory_space<vmem_shared>>
      %dma_wait3A_133 = tpu.memref_slice %arg8[%run_scoped3A_100, %mul3A_22] : memref<16x30720xf32, #tpu.memory_space<vmem_shared>> -> memref<1x1920xf32, #tpu.memory_space<vmem_shared>>
      %dma_wait3A_134 = tpu.memref_squeeze %dma_wait3A_133 : memref<1x1920xf32, #tpu.memory_space<vmem_shared>> -> memref<1920xf32, #tpu.memory_space<vmem_shared>>
      tpu.wait_dma2 semaphore(%run_scoped3A_128 : memref<!tpu.dma_semaphore, #tpu.memory_space<semaphore_mem>>) src(%dma_wait3A_134 : memref<1920xf32, #tpu.memory_space<vmem_shared>>) dst(%arg10 : memref<1920xf32, #tpu.memory_space<vmem>>)
      tpu.yield
    }) : () -> ()
    %scan3A_101 = arith.constant 0 : i32
    %scan3A_102 = arith.constant 0 : i32
    %scan3A_103 = arith.constant 120 : i32
    %scan3A_104 = arith.addi %scan3A_102, %scan3A_103 : i32
    %scan3A_105 = arith.constant 1 : i32
    scf.for %scan3A_128 = %scan3A_102 to %scan3A_104 step %scan3A_105  : i32 {
      %mul3A_129 = arith.constant 16 : i32
      %mul3A_130 = arith.muli %scan3A_128, %mul3A_129 : i32
      %get3A = arith.index_cast %mul3A_130 : i32 to index
      %get3A_131 = tpu.vector_load %arg9[%get3A] {strides = array<i32>} : memref<1920xf32, #tpu.memory_space<vmem>>, vector<16xf32>,
      %mul3A_132 = arith.constant 16 : i32
      %mul3A_133 = arith.muli %scan3A_128, %mul3A_132 : i32
      %get3A_134 = arith.index_cast %mul3A_133 : i32 to index
      %get3A_135 = tpu.vector_load %arg10[%get3A_134] {strides = array<i32>} : memref<1920xf32, #tpu.memory_space<vmem>>, vector<16xf32>,
      %add3A_136 = arith.addf %get3A_131, %get3A_135 : vector<16xf32>
      %mul3A_137 = arith.constant 16 : i32
      %mul3A_138 = arith.muli %scan3A_128, %mul3A_137 : i32
      %swap3A = arith.index_cast %mul3A_138 : i32 to index
      %swap3A_139 = tpu.vector_load %arg9[%swap3A] {strides = array<i32>} : memref<1920xf32, #tpu.memory_space<vmem>>, vector<16xf32>,
      tpu.vector_store %arg9[%swap3A], %add3A_136 {strides = array<i32>} : memref<1920xf32, #tpu.memory_space<vmem>>, vector<16xf32>,
    }
    %scan3A_106 = arith.constant 120 : i32
    %run_scoped3A_107 = arith.constant 13 : i32
    "tpu.region"() ({
      %run_scoped3A_128 = tpu.sem_alloc : memref<!tpu.dma_semaphore, #tpu.memory_space<semaphore_mem>>
      %dma_start3A = tpu.memref_slice %arg8[%run_scoped3A_107, %mul3A_22] : memref<16x30720xf32, #tpu.memory_space<vmem_shared>> -> memref<1x1920xf32, #tpu.memory_space<vmem_shared>>
      %dma_start3A_129 = tpu.memref_squeeze %dma_start3A : memref<1x1920xf32, #tpu.memory_space<vmem_shared>> -> memref<1920xf32, #tpu.memory_space<vmem_shared>>
      %dma_start3A_130 = tpu.memref_slice %arg8[%run_scoped3A_107, %mul3A_22] : memref<16x30720xf32, #tpu.memory_space<vmem_shared>> -> memref<1x1920xf32, #tpu.memory_space<vmem_shared>>
      %dma_start3A_131 = tpu.memref_squeeze %dma_start3A_130 : memref<1x1920xf32, #tpu.memory_space<vmem_shared>> -> memref<1920xf32, #tpu.memory_space<vmem_shared>>
      tpu.enqueue_dma source(%dma_start3A_131 : memref<1920xf32, #tpu.memory_space<vmem_shared>>) target(%arg10 : memref<1920xf32, #tpu.memory_space<vmem>>) target_semaphore(%run_scoped3A_128 : memref<!tpu.dma_semaphore, #tpu.memory_space<semaphore_mem>>)
      %dma_wait3A = tpu.memref_slice %arg8[%run_scoped3A_107, %mul3A_22] : memref<16x30720xf32, #tpu.memory_space<vmem_shared>> -> memref<1x1920xf32, #tpu.memory_space<vmem_shared>>
      %dma_wait3A_132 = tpu.memref_squeeze %dma_wait3A : memref<1x1920xf32, #tpu.memory_space<vmem_shared>> -> memref<1920xf32, #tpu.memory_space<vmem_shared>>
      %dma_wait3A_133 = tpu.memref_slice %arg8[%run_scoped3A_107, %mul3A_22] : memref<16x30720xf32, #tpu.memory_space<vmem_shared>> -> memref<1x1920xf32, #tpu.memory_space<vmem_shared>>
      %dma_wait3A_134 = tpu.memref_squeeze %dma_wait3A_133 : memref<1x1920xf32, #tpu.memory_space<vmem_shared>> -> memref<1920xf32, #tpu.memory_space<vmem_shared>>
      tpu.wait_dma2 semaphore(%run_scoped3A_128 : memref<!tpu.dma_semaphore, #tpu.memory_space<semaphore_mem>>) src(%dma_wait3A_134 : memref<1920xf32, #tpu.memory_space<vmem_shared>>) dst(%arg10 : memref<1920xf32, #tpu.memory_space<vmem>>)
      tpu.yield
    }) : () -> ()
    %scan3A_108 = arith.constant 0 : i32
    %scan3A_109 = arith.constant 0 : i32
    %scan3A_110 = arith.constant 120 : i32
    %scan3A_111 = arith.addi %scan3A_109, %scan3A_110 : i32
    %scan3A_112 = arith.constant 1 : i32
    scf.for %scan3A_128 = %scan3A_109 to %scan3A_111 step %scan3A_112  : i32 {
      %mul3A_129 = arith.constant 16 : i32
      %mul3A_130 = arith.muli %scan3A_128, %mul3A_129 : i32
      %get3A = arith.index_cast %mul3A_130 : i32 to index
      %get3A_131 = tpu.vector_load %arg9[%get3A] {strides = array<i32>} : memref<1920xf32, #tpu.memory_space<vmem>>, vector<16xf32>,
      %mul3A_132 = arith.constant 16 : i32
      %mul3A_133 = arith.muli %scan3A_128, %mul3A_132 : i32
      %get3A_134 = arith.index_cast %mul3A_133 : i32 to index
      %get3A_135 = tpu.vector_load %arg10[%get3A_134] {strides = array<i32>} : memref<1920xf32, #tpu.memory_space<vmem>>, vector<16xf32>,
      %add3A_136 = arith.addf %get3A_131, %get3A_135 : vector<16xf32>
      %mul3A_137 = arith.constant 16 : i32
      %mul3A_138 = arith.muli %scan3A_128, %mul3A_137 : i32
      %swap3A = arith.index_cast %mul3A_138 : i32 to index
      %swap3A_139 = tpu.vector_load %arg9[%swap3A] {strides = array<i32>} : memref<1920xf32, #tpu.memory_space<vmem>>, vector<16xf32>,
      tpu.vector_store %arg9[%swap3A], %add3A_136 {strides = array<i32>} : memref<1920xf32, #tpu.memory_space<vmem>>, vector<16xf32>,
    }
    %scan3A_113 = arith.constant 120 : i32
    %run_scoped3A_114 = arith.constant 14 : i32
    "tpu.region"() ({
      %run_scoped3A_128 = tpu.sem_alloc : memref<!tpu.dma_semaphore, #tpu.memory_space<semaphore_mem>>
      %dma_start3A = tpu.memref_slice %arg8[%run_scoped3A_114, %mul3A_22] : memref<16x30720xf32, #tpu.memory_space<vmem_shared>> -> memref<1x1920xf32, #tpu.memory_space<vmem_shared>>
      %dma_start3A_129 = tpu.memref_squeeze %dma_start3A : memref<1x1920xf32, #tpu.memory_space<vmem_shared>> -> memref<1920xf32, #tpu.memory_space<vmem_shared>>
      %dma_start3A_130 = tpu.memref_slice %arg8[%run_scoped3A_114, %mul3A_22] : memref<16x30720xf32, #tpu.memory_space<vmem_shared>> -> memref<1x1920xf32, #tpu.memory_space<vmem_shared>>
      %dma_start3A_131 = tpu.memref_squeeze %dma_start3A_130 : memref<1x1920xf32, #tpu.memory_space<vmem_shared>> -> memref<1920xf32, #tpu.memory_space<vmem_shared>>
      tpu.enqueue_dma source(%dma_start3A_131 : memref<1920xf32, #tpu.memory_space<vmem_shared>>) target(%arg10 : memref<1920xf32, #tpu.memory_space<vmem>>) target_semaphore(%run_scoped3A_128 : memref<!tpu.dma_semaphore, #tpu.memory_space<semaphore_mem>>)
      %dma_wait3A = tpu.memref_slice %arg8[%run_scoped3A_114, %mul3A_22] : memref<16x30720xf32, #tpu.memory_space<vmem_shared>> -> memref<1x1920xf32, #tpu.memory_space<vmem_shared>>
      %dma_wait3A_132 = tpu.memref_squeeze %dma_wait3A : memref<1x1920xf32, #tpu.memory_space<vmem_shared>> -> memref<1920xf32, #tpu.memory_space<vmem_shared>>
      %dma_wait3A_133 = tpu.memref_slice %arg8[%run_scoped3A_114, %mul3A_22] : memref<16x30720xf32, #tpu.memory_space<vmem_shared>> -> memref<1x1920xf32, #tpu.memory_space<vmem_shared>>
      %dma_wait3A_134 = tpu.memref_squeeze %dma_wait3A_133 : memref<1x1920xf32, #tpu.memory_space<vmem_shared>> -> memref<1920xf32, #tpu.memory_space<vmem_shared>>
      tpu.wait_dma2 semaphore(%run_scoped3A_128 : memref<!tpu.dma_semaphore, #tpu.memory_space<semaphore_mem>>) src(%dma_wait3A_134 : memref<1920xf32, #tpu.memory_space<vmem_shared>>) dst(%arg10 : memref<1920xf32, #tpu.memory_space<vmem>>)
      tpu.yield
    }) : () -> ()
    %scan3A_115 = arith.constant 0 : i32
    %scan3A_116 = arith.constant 0 : i32
    %scan3A_117 = arith.constant 120 : i32
    %scan3A_118 = arith.addi %scan3A_116, %scan3A_117 : i32
    %scan3A_119 = arith.constant 1 : i32
    scf.for %scan3A_128 = %scan3A_116 to %scan3A_118 step %scan3A_119  : i32 {
      %mul3A_129 = arith.constant 16 : i32
      %mul3A_130 = arith.muli %scan3A_128, %mul3A_129 : i32
      %get3A = arith.index_cast %mul3A_130 : i32 to index
      %get3A_131 = tpu.vector_load %arg9[%get3A] {strides = array<i32>} : memref<1920xf32, #tpu.memory_space<vmem>>, vector<16xf32>,
      %mul3A_132 = arith.constant 16 : i32
      %mul3A_133 = arith.muli %scan3A_128, %mul3A_132 : i32
      %get3A_134 = arith.index_cast %mul3A_133 : i32 to index
      %get3A_135 = tpu.vector_load %arg10[%get3A_134] {strides = array<i32>} : memref<1920xf32, #tpu.memory_space<vmem>>, vector<16xf32>,
      %add3A_136 = arith.addf %get3A_131, %get3A_135 : vector<16xf32>
      %mul3A_137 = arith.constant 16 : i32
      %mul3A_138 = arith.muli %scan3A_128, %mul3A_137 : i32
      %swap3A = arith.index_cast %mul3A_138 : i32 to index
      %swap3A_139 = tpu.vector_load %arg9[%swap3A] {strides = array<i32>} : memref<1920xf32, #tpu.memory_space<vmem>>, vector<16xf32>,
      tpu.vector_store %arg9[%swap3A], %add3A_136 {strides = array<i32>} : memref<1920xf32, #tpu.memory_space<vmem>>, vector<16xf32>,
    }
    %scan3A_120 = arith.constant 120 : i32
    %run_scoped3A_121 = arith.constant 15 : i32
    "tpu.region"() ({
      %run_scoped3A_128 = tpu.sem_alloc : memref<!tpu.dma_semaphore, #tpu.memory_space<semaphore_mem>>
      %dma_start3A = tpu.memref_slice %arg8[%run_scoped3A_121, %mul3A_22] : memref<16x30720xf32, #tpu.memory_space<vmem_shared>> -> memref<1x1920xf32, #tpu.memory_space<vmem_shared>>
      %dma_start3A_129 = tpu.memref_squeeze %dma_start3A : memref<1x1920xf32, #tpu.memory_space<vmem_shared>> -> memref<1920xf32, #tpu.memory_space<vmem_shared>>
      %dma_start3A_130 = tpu.memref_slice %arg8[%run_scoped3A_121, %mul3A_22] : memref<16x30720xf32, #tpu.memory_space<vmem_shared>> -> memref<1x1920xf32, #tpu.memory_space<vmem_shared>>
      %dma_start3A_131 = tpu.memref_squeeze %dma_start3A_130 : memref<1x1920xf32, #tpu.memory_space<vmem_shared>> -> memref<1920xf32, #tpu.memory_space<vmem_shared>>
      tpu.enqueue_dma source(%dma_start3A_131 : memref<1920xf32, #tpu.memory_space<vmem_shared>>) target(%arg10 : memref<1920xf32, #tpu.memory_space<vmem>>) target_semaphore(%run_scoped3A_128 : memref<!tpu.dma_semaphore, #tpu.memory_space<semaphore_mem>>)
      %dma_wait3A = tpu.memref_slice %arg8[%run_scoped3A_121, %mul3A_22] : memref<16x30720xf32, #tpu.memory_space<vmem_shared>> -> memref<1x1920xf32, #tpu.memory_space<vmem_shared>>
      %dma_wait3A_132 = tpu.memref_squeeze %dma_wait3A : memref<1x1920xf32, #tpu.memory_space<vmem_shared>> -> memref<1920xf32, #tpu.memory_space<vmem_shared>>
      %dma_wait3A_133 = tpu.memref_slice %arg8[%run_scoped3A_121, %mul3A_22] : memref<16x30720xf32, #tpu.memory_space<vmem_shared>> -> memref<1x1920xf32, #tpu.memory_space<vmem_shared>>
      %dma_wait3A_134 = tpu.memref_squeeze %dma_wait3A_133 : memref<1x1920xf32, #tpu.memory_space<vmem_shared>> -> memref<1920xf32, #tpu.memory_space<vmem_shared>>
      tpu.wait_dma2 semaphore(%run_scoped3A_128 : memref<!tpu.dma_semaphore, #tpu.memory_space<semaphore_mem>>) src(%dma_wait3A_134 : memref<1920xf32, #tpu.memory_space<vmem_shared>>) dst(%arg10 : memref<1920xf32, #tpu.memory_space<vmem>>)
      tpu.yield
    }) : () -> ()
    %scan3A_122 = arith.constant 0 : i32
    %scan3A_123 = arith.constant 0 : i32
    %scan3A_124 = arith.constant 120 : i32
    %scan3A_125 = arith.addi %scan3A_123, %scan3A_124 : i32
    %scan3A_126 = arith.constant 1 : i32
    scf.for %scan3A_128 = %scan3A_123 to %scan3A_125 step %scan3A_126  : i32 {
      %mul3A_129 = arith.constant 16 : i32
      %mul3A_130 = arith.muli %scan3A_128, %mul3A_129 : i32
      %get3A = arith.index_cast %mul3A_130 : i32 to index
      %get3A_131 = tpu.vector_load %arg9[%get3A] {strides = array<i32>} : memref<1920xf32, #tpu.memory_space<vmem>>, vector<16xf32>,
      %mul3A_132 = arith.constant 16 : i32
      %mul3A_133 = arith.muli %scan3A_128, %mul3A_132 : i32
      %get3A_134 = arith.index_cast %mul3A_133 : i32 to index
      %get3A_135 = tpu.vector_load %arg10[%get3A_134] {strides = array<i32>} : memref<1920xf32, #tpu.memory_space<vmem>>, vector<16xf32>,
      %add3A_136 = arith.addf %get3A_131, %get3A_135 : vector<16xf32>
      %mul3A_137 = arith.constant 16 : i32
      %mul3A_138 = arith.muli %scan3A_128, %mul3A_137 : i32
      %swap3A = arith.index_cast %mul3A_138 : i32 to index
      %swap3A_139 = tpu.vector_load %arg9[%swap3A] {strides = array<i32>} : memref<1920xf32, #tpu.memory_space<vmem>>, vector<16xf32>,
      tpu.vector_store %arg9[%swap3A], %add3A_136 {strides = array<i32>} : memref<1920xf32, #tpu.memory_space<vmem>>, vector<16xf32>,
    }
    %scan3A_127 = arith.constant 120 : i32
    "tpu.region"() ({
      %run_scoped3A_128 = tpu.sem_alloc : memref<!tpu.dma_semaphore, #tpu.memory_space<semaphore_mem>>
      %dma_start3A = tpu.memref_slice %arg4[%arg0, %mul3A_22] : memref<2x30720xf32, #tpu.memory_space<hbm>> -> memref<1x1920xf32, #tpu.memory_space<hbm>>
      %dma_start3A_129 = tpu.memref_squeeze %dma_start3A : memref<1x1920xf32, #tpu.memory_space<hbm>> -> memref<1920xf32, #tpu.memory_space<hbm>>
      %dma_start3A_130 = tpu.memref_slice %arg4[%arg0, %mul3A_22] : memref<2x30720xf32, #tpu.memory_space<hbm>> -> memref<1x1920xf32, #tpu.memory_space<hbm>>
      %dma_start3A_131 = tpu.memref_squeeze %dma_start3A_130 : memref<1x1920xf32, #tpu.memory_space<hbm>> -> memref<1920xf32, #tpu.memory_space<hbm>>
      tpu.enqueue_dma source(%arg9 : memref<1920xf32, #tpu.memory_space<vmem>>) target(%dma_start3A_131 : memref<1920xf32, #tpu.memory_space<hbm>>) target_semaphore(%run_scoped3A_128 : memref<!tpu.dma_semaphore, #tpu.memory_space<semaphore_mem>>)
      %dma_wait3A = tpu.memref_slice %arg4[%arg0, %mul3A_22] : memref<2x30720xf32, #tpu.memory_space<hbm>> -> memref<1x1920xf32, #tpu.memory_space<hbm>>
      %dma_wait3A_132 = tpu.memref_squeeze %dma_wait3A : memref<1x1920xf32, #tpu.memory_space<hbm>> -> memref<1920xf32, #tpu.memory_space<hbm>>
      %dma_wait3A_133 = tpu.memref_slice %arg4[%arg0, %mul3A_22] : memref<2x30720xf32, #tpu.memory_space<hbm>> -> memref<1x1920xf32, #tpu.memory_space<hbm>>
      %dma_wait3A_134 = tpu.memref_squeeze %dma_wait3A_133 : memref<1x1920xf32, #tpu.memory_space<hbm>> -> memref<1920xf32, #tpu.memory_space<hbm>>
      tpu.wait_dma2 semaphore(%run_scoped3A_128 : memref<!tpu.dma_semaphore, #tpu.memory_space<semaphore_mem>>) src(%arg9 : memref<1920xf32, #tpu.memory_space<vmem>>) dst(%dma_wait3A_134 : memref<1920xf32, #tpu.memory_space<hbm>>)
      tpu.yield
    }) : () -> ()
    return
  }
}

module attributes {stable_mosaic.version = 14 : i64} {
  func.func @_merge_body(%arg0: memref<10000x128xf32, #tpu.memory_space<vmem>>, %arg1: memref<1x128xf32, #tpu.memory_space<vmem>>, %arg2: memref<1xf32, #tpu.memory_space<smem>>, %arg3: memref<2x3x10240xf32, #tpu.memory_space<vmem>>, %arg4: memref<1x1xf32, #tpu.memory_space<smem>>, %arg5: memref<3x10240xf32, #tpu.memory_space<vmem>>) attributes {dimension_semantics = [], scalar_prefetch = 0 : i64, scratch_operands = 0 : i64, tpu.core_type = #tpu.core_type<tc>} {
    %get3A = arith.constant 0 : index
    %get3A_0 = arith.constant 0 : index
    %get3A_1 = vector.load %arg0[%get3A, %get3A_0] : memref<10000x128xf32, #tpu.memory_space<vmem>>, vector<10000x128xf32>
    %get3A_2 = arith.constant 0 : index
    %get3A_3 = arith.constant 0 : index
    %get3A_4 = vector.load %arg1[%get3A_2, %get3A_3] : memref<1x128xf32, #tpu.memory_space<vmem>>, vector<1x128xf32>
    %get3A_5 = vector.shape_cast %get3A_4 : vector<1x128xf32> to vector<128xf32>
    %broadcast_in_dim3A = vector.shape_cast %get3A_5 : vector<128xf32> to vector<1x128xf32>
    %mul3A = vector.broadcast %broadcast_in_dim3A : vector<1x128xf32> to vector<10000x128xf32>
    %mul3A_6 = arith.mulf %get3A_1, %mul3A : vector<10000x128xf32>
    %reduce_sum3A = vector.shape_cast %mul3A_6 : vector<10000x128xf32> to vector<1x10000x128xf32>
    %reduce_sum3A_7 = arith.constant dense<0.000000e+00> : vector<1xf32>
    %reduce_sum3A_8 = vector.multi_reduction <add>, %reduce_sum3A, %reduce_sum3A_7 [1, 2] : vector<1x10000x128xf32> to vector<1xf32>
    %reduce_sum3A_9 = vector.shape_cast %reduce_sum3A_8 : vector<1xf32> to vector<1x1x1xf32>
    %reduce_sum3A_10 = vector.extract %reduce_sum3A_9[0, 0, 0] : f32 from vector<1x1x1xf32>
    %div3A = arith.constant 1.000000e+04 : f32
    %div3A_11 = arith.divf %reduce_sum3A_10, %div3A : f32
    %get3A_12 = arith.constant 0 : index
    %get3A_13 = memref.load %arg2[%get3A_12] : memref<1xf32, #tpu.memory_space<smem>>
    %add3A = arith.addf %div3A_11, %get3A_13 : f32
    %swap3A = arith.constant 0 : index
    %swap3A_14 = arith.constant 0 : index
    %swap3A_15 = memref.load %arg4[%swap3A, %swap3A_14] : memref<1x1xf32, #tpu.memory_space<smem>>
    memref.store %add3A, %arg4[%swap3A, %swap3A_14] : memref<1x1xf32, #tpu.memory_space<smem>>
    %get3A_16 = arith.constant 0 : index
    %get3A_17 = arith.constant 0 : index
    %get3A_18 = arith.constant 0 : index
    %get3A_19 = vector.load %arg3[%get3A_16, %get3A_17, %get3A_18] : memref<2x3x10240xf32, #tpu.memory_space<vmem>>, vector<1x3x10240xf32>
    %get3A_20 = vector.shape_cast %get3A_19 : vector<1x3x10240xf32> to vector<3x10240xf32>
    %get3A_21 = arith.constant 1 : index
    %get3A_22 = arith.constant 0 : index
    %get3A_23 = arith.constant 0 : index
    %get3A_24 = vector.load %arg3[%get3A_21, %get3A_22, %get3A_23] : memref<2x3x10240xf32, #tpu.memory_space<vmem>>, vector<1x3x10240xf32>
    %get3A_25 = vector.shape_cast %get3A_24 : vector<1x3x10240xf32> to vector<3x10240xf32>
    %add3A_26 = arith.addf %get3A_20, %get3A_25 : vector<3x10240xf32>
    %swap3A_27 = arith.constant 0 : index
    %swap3A_28 = arith.constant 0 : index
    %swap3A_29 = vector.load %arg5[%swap3A_27, %swap3A_28] : memref<3x10240xf32, #tpu.memory_space<vmem>>, vector<3x10240xf32>
    tpu.vector_store %arg5[%swap3A_27, %swap3A_28], %add3A_26 {strides = array<i32>} : memref<3x10240xf32, #tpu.memory_space<vmem>>, vector<3x10240xf32>,
    return
  }
}

module attributes {stable_mosaic.version = 14 : i64} {
  func.func @_f_body(%arg0: i32, %arg1: memref<3x6400x128xf32, #tpu.memory_space<vmem>>, %arg2: memref<1x128xf32, #tpu.memory_space<vmem>>, %arg3: memref<3x6400xf32, #tpu.memory_space<vmem>>) attributes {dimension_semantics = [#tpu.dimension_semantics<arbitrary>], iteration_bounds = array<i64: 50>, scalar_prefetch = 0 : i64, scratch_operands = 0 : i64, tpu.core_type = #tpu.core_type<tc>, window_params = [{transform_indices = @transform_0, window_bounds = array<i64: 3, 6400, 128>}, {pipeline_mode = #tpu.pipeline_mode<synchronous>, transform_indices = @transform_1, window_bounds = array<i64: 1, 128>}, {transform_indices = @transform_2, window_bounds = array<i64: 3, 6400>}]} {
    %get3A = arith.constant 0 : index
    %get3A_0 = arith.constant 0 : index
    %get3A_1 = arith.constant 0 : index
    %get3A_2 = vector.load %arg1[%get3A, %get3A_0, %get3A_1] : memref<3x6400x128xf32, #tpu.memory_space<vmem>>, vector<3x6400x128xf32>
    %get3A_3 = arith.constant 0 : index
    %get3A_4 = arith.constant 0 : index
    %get3A_5 = vector.load %arg2[%get3A_3, %get3A_4] : memref<1x128xf32, #tpu.memory_space<vmem>>, vector<1x128xf32>
    %get3A_6 = vector.shape_cast %get3A_5 : vector<1x128xf32> to vector<128xf32>
    %dot_general3A = arith.constant dense<0.000000e+00> : vector<3x6400xf32>
    %dot_general3A_7 = tpu.matmul %get3A_2, %get3A_6, %dot_general3A {dimension_numbers = #tpu.dot_dimension_numbers<[2], [0], [0, 1], [], [0, 0, 0, 1], [], []>, transpose_lhs_hint = false} : vector<3x6400x128xf32>, vector<128xf32>, vector<3x6400xf32> -> vector<3x6400xf32>
    %neg3A = arith.constant 0.000000e+00 : f32
    %neg3A_8 = vector.broadcast %neg3A : f32 to vector<3x6400xf32>
    %neg3A_9 = arith.subf %neg3A_8, %dot_general3A_7 : vector<3x6400xf32>
    %swap3A = arith.constant 0 : index
    %swap3A_10 = arith.constant 0 : index
    %swap3A_11 = vector.load %arg3[%swap3A, %swap3A_10] : memref<3x6400xf32, #tpu.memory_space<vmem>>, vector<3x6400xf32>
    tpu.vector_store %arg3[%swap3A, %swap3A_10], %neg3A_9 {strides = array<i32>} : memref<3x6400xf32, #tpu.memory_space<vmem>>, vector<3x6400xf32>,
    return
  }
  func.func @transform_0(%arg0: i32) -> (i32, i32, i32) {
    %c0_i32 = arith.constant 0 : i32
    %c0_i32_0 = arith.constant 0 : i32
    %c0_i32_1 = arith.constant 0 : i32
    return %c0_i32, %arg0, %c0_i32_0 : i32, i32, i32
  }
  func.func @transform_1(%arg0: i32) -> (i32, i32) {
    %c0_i32 = arith.constant 0 : i32
    %c0_i32_0 = arith.constant 0 : i32
    %c0_i32_1 = arith.constant 0 : i32
    return %c0_i32, %c0_i32_0 : i32, i32
  }
  func.func @transform_2(%arg0: i32) -> (i32, i32) {
    %c0_i32 = arith.constant 0 : i32
    %c0_i32_0 = arith.constant 0 : i32
    return %c0_i32, %arg0 : i32, i32
  }
}

</mosaic_0001>

<sc_bundles>
// kernel: kernel.5.cloned.1.call-start
scs
__scs_entry_jumppad:
0x0: {  	(pc) =	sbr.rel $0x88, $3  }
0x1: {  	(tag) =	ssettag $0x0;
	lr =	simm.s32 $0x1  }
0x2: {  	[smem:$0x3F9C] =	sst lr;
	_ =	strace $0xD0000000  }
0x3: {  	_ = 	snop  }
0x4: {  	_ = 	snop  }
0x5: {  	_ = 	snop  }
0x6: {  	_ = 	snop  }
0x7: {  	_ = 	snop  }
__scs_overlays_trampoline_lowered:
0x8: {  	[smem:$0x3FAB] =	sst s0  }
0x9: {  	[smem:$0x3FAC] =	sst s1  }
0xa: {  	[smem:$0x3FAD] =	sst s2  }
0xb: {  	[smem:$0x3FAE] =	sst s3  }
0xc: {  	[smem:$0x3FAF] =	sst s4  }
0xd: {  	[smem:$0x3FB0] =	sst s5  }
0xe: {  	[smem:$0x3FB1] =	sst s6  }
0xf: {  	[smem:$0x3FB2] =	sst s7  }
0x10: {  	[smem:$0x3FB3] =	sst s8  }
0x11: {  	[smem:$0x3FB4] =	sst s9;
	s0 =	simm.s32 @!p0 $0x0  }
0x12: {  	s1 =	sld [smem:$0x3F9A];
	s0 =	simm.s32 @p0 $0x1  }
0x13: {  	[smem:$0x3FB5] =	sst s0;
	s0 =	simm.s32 @!p1 $0x0  }
0x14: {  	s2 =	sld [smem:$0x3F99];
	s0 =	simm.s32 @p1 $0x1  }
0x15: {  	[smem:$0x3FB6] =	sst s0;
	s0 =	simm.s32 @!p2 $0x0  }
0x16: {  	s3 =	sld [smem:$0x3FDB];
	s0 =	simm.s32 @p2 $0x1  }
0x17: {  	s4 =	simm.s32 $0x1BF5;
	[smem:$0x3FB8] =	sst s0  }
0x18: {  	s0 =	sld [smem:$0x3F9B];
	_ =	swait.ge [sflag:s4], $0x0  }
0x19: {  	s7 =	sld [smem:$0x3F9C]  }
0x1a: {  	s8 =	sadd.s32 $0xFFFFE003, lr  }
0x1b: {  	s9 =	sadd.s32 $0xFFFFFEF7, lr;
	s5 =	simm.s32 $0xFFFFFFFF;
	p2 =	slt.u32 s8, $0xFFFFF086  }
0x1c: {  	p1 =	slt.u32 s9, $0xF7A;
	s5 =	simm.s32 @!p2 $0x0  }
0x1d: {  	s5 =	simm.s32 @p1 $0x1;
	p0 =	seq.s32 s7, s2  }
0x1e: {  	s7 =	smul.u32 @!p0 $0xF7A, s2;
	p2 =	seq.s32 @!p0 s5, $0x0  }
0x1f: {  	s9 =	smul.u32 $0xF7A, s1;
	s8 =	simm.s32 @!p0 $0x1BF5;
	p2 =	por !p2, p0  }
0x20: {  	[sflag:s8] =	ssyncset.s32 @!p0 $0xFFFFF086;
	s6 =	sadd.s32 @!p0 s3, s7;
	s7 =	simm.s32 @!p0 $0x108  }
0x21: {  	s3 =	sadd.s32 s3, s9;
	s6 =	sadd.s32 @!p0 $0x88, s6;
	s7 =	simm.s32 @p2 $0x1082  }
0x22: {  	[simem:s7], [sflag:s8] =	dma.local @!p0 [hbm:s6], $0xF7A  }
0x23: {  	s9 =	sor.u32 $0xD0000000, s2;
	s6 =	simm.s32 $0x108;
	_ =	swait.ge @!p0 [sflag:s8], $0x0  }
0x24: {  	s3 =	sadd.s32 $0x88, s3;
	s6 =	simm.s32 @!p1 $0x1082;
	[sflag:s4] =	ssyncset.s32 $0xFFFFF086  }
0x25: {  	[simem:s6], [sflag:s4] =	dma.local [hbm:s3], $0xF7A  }
0x26: {  	[smem:$0x3F9C] =	sst s1;
	(tag) =	ssettag s2;
	_ =	strace s9  }
0x27: {  	s1 =	sld [smem:$0x3FAC]  }
0x28: {  	s2 =	sld [smem:$0x3FAD]  }
0x29: {  	s4 =	sld [smem:$0x3FAF]  }
0x2a: {  	p0 =	seq.s32 s5, $0x0;
	s5 =	sld [smem:$0x3FB0]  }
0x2b: {  	s6 =	sld [smem:$0x3FB1]  }
0x2c: {  	s7 =	sld [smem:$0x3FB2]  }
0x2d: {  	s3 =	simm.s32 $0x108;
	s8 =	sld [smem:$0x3FB3]  }
0x2e: {  	s3 =	simm.s32 @!p0 $0x1082;
	s9 =	sld [smem:$0x3FB4]  }
0x2f: {  	lr =	sadd.s32 s0, s3;
	s0 =	sld [smem:$0x3FAB]  }
0x30: {  	s3 =	sld [smem:$0x3FAE]  }
0x31: {  	[smem:$0x3FB7] =	sst s10  }
0x32: {  	s10 =	sld [smem:$0x3FB5];
	_ =	sdelay $0x3  }
0x33: {  	p0 =	seq.s32 s10, $0x1;
	s10 =	sld [smem:$0x3FB7];
	_ =	sdelay $0x3  }
0x34: {  	[smem:$0x3FB7] =	sst s10  }
0x35: {  	s10 =	sld [smem:$0x3FB6];
	_ =	sdelay $0x3  }
0x36: {  	p1 =	seq.s32 s10, $0x1;
	s10 =	sld [smem:$0x3FB7];
	_ =	sdelay $0x3  }
0x37: {  	[smem:$0x3FB7] =	sst s10  }
0x38: {  	s10 =	sld [smem:$0x3FB8]  }
0x39: {  	_ = 	snop;
	(pc) =	sbr.ind lr, $3  }
0x3a: {  	_ = 	snop  }
0x3b: {  	_ = 	snop  }
0x3c: {  	p2 =	seq.s32 s10, $0x1;
	s10 =	sld [smem:$0x3FB7]  }
0x3d: {  	_ =	shalt  }
0x3e: {  	_ =	shalt  }
0x3f: {  	_ =	shalt  }
0x40: {  	_ =	shalt  }
0x41: {  	_ =	shalt  }
0x42: {  	_ =	shalt  }
0x43: {  	_ =	shalt  }
0x44: {  	_ =	shalt  }
0x45: {  	_ =	shalt  }
0x46: {  	_ =	shalt  }
0x47: {  	_ =	shalt  }
0x48: {  	_ =	shalt  }
0x49: {  	_ =	shalt  }
0x4a: {  	_ =	shalt  }
0x4b: {  	_ =	shalt  }
0x4c: {  	_ =	shalt  }
0x4d: {  	_ =	shalt  }
0x4e: {  	_ =	shalt  }
0x4f: {  	_ =	shalt  }
0x50: {  	_ =	shalt  }
0x51: {  	_ =	shalt  }
0x52: {  	_ =	shalt  }
0x53: {  	_ =	shalt  }
0x54: {  	_ =	shalt  }
0x55: {  	_ =	shalt  }
0x56: {  	_ =	shalt  }
0x57: {  	_ =	shalt  }
0x58: {  	_ =	shalt  }
0x59: {  	_ =	shalt  }
0x5a: {  	_ =	shalt  }
0x5b: {  	_ =	shalt  }
0x5c: {  	_ =	shalt  }
0x5d: {  	_ =	shalt  }
0x5e: {  	_ =	shalt  }
0x5f: {  	_ =	shalt  }
0x60: {  	_ =	shalt  }
0x61: {  	_ =	shalt  }
0x62: {  	_ =	shalt  }
0x63: {  	_ =	shalt  }
0x64: {  	_ =	shalt  }
0x65: {  	_ =	shalt  }
0x66: {  	_ =	shalt  }
0x67: {  	_ =	shalt  }
0x68: {  	_ =	shalt  }
0x69: {  	_ =	shalt  }
0x6a: {  	_ =	shalt  }
0x6b: {  	_ =	shalt  }
0x6c: {  	_ =	shalt  }
0x6d: {  	_ =	shalt  }
0x6e: {  	_ =	shalt  }
0x6f: {  	_ =	shalt  }
0x70: {  	_ =	shalt  }
0x71: {  	_ =	shalt  }
0x72: {  	_ =	shalt  }
0x73: {  	_ =	shalt  }
0x74: {  	_ =	shalt  }
0x75: {  	_ =	shalt  }
0x76: {  	_ =	shalt  }
0x77: {  	_ =	shalt  }
0x78: {  	_ =	shalt  }
0x79: {  	_ =	shalt  }
0x7a: {  	_ =	shalt  }
0x7b: {  	_ =	shalt  }
0x7c: {  	_ =	shalt  }
0x7d: {  	_ =	shalt  }
0x7e: {  	_ =	shalt  }
0x7f: {  	_ =	shalt  }
0x80: {  	_ =	shalt  }
0x81: {  	_ =	shalt  }
0x82: {  	_ =	shalt  }
0x83: {  	_ =	shalt  }
0x84: {  	_ =	shalt  }
0x85: {  	_ =	shalt  }
0x86: {  	_ =	shalt  }
0x87: {  	_ =	shalt  }
.Lfunc_end0:
.L_simem_size_0:
called_computation_lowered:
.L_overlay_start_0:
0x88: {  	s2 =	sld [smem:$0x3FD9]  }
0x89: {  	s3 =	sld [smem:$0x3FFE];
	_ =	sdelay $0x1  }
0x8a: {  	s1 =	srdreg.scid  }
0x8b: {  	s0 =	sand.u32 $0x1, s1  }
0x8c: {  	s17 =	sshll.u32 s0, $0xA;
	s2 =	sadd.s32 s3, s2  }
0x8d: {  	s2 =	sadd.s32 s2, s17  }
0x8e: {  	[smem:$0x3FC3] =	sst s2  }
0x8f: {  	_ = 	snop  }
0x90: {  	s2 =	sld [smem:$0x3FC7];
	(tm) =	ssettm $0x1  }
0x91: {  	s18 =	sld [smem:$0x3FFB];
	_ =	sdelay $0x3  }
0x92: {  	_ =	strace s18  }
0x93: {  	s3 =	sld [smem:$0x3FFC];
	_ =	sdelay $0x3  }
0x94: {  	_ =	strace s3  }
0x95: {  	s3 =	sld [smem:$0x3FFD];
	_ =	sdelay $0x3  }
0x96: {  	_ =	strace s3  }
0x97: {  	_ =	strace $0x8FFFFFFF  }
0x98: {  	s19 =	sld [smem:$0x3FDB];
	_ =	sdelay $0x1  }
0x99: {  	s4 =	simm.s32 $_scs_section_size  }
0x9a: {  	s5 =	simm.s32 $_size__tile_overlayer_lowered;
	s6 =	simm.s32 $_tile_overlayer_lowered  }
0x9b: {  	s22 =	simm.s32 $0x1BFF;
	s21 =	sshll.u32 s6, $0x1;
	s3 =	sadd.s32 s4, s19  }
0x9c: {  	s7 =	simm.s32 $0x0;
	s20 =	sshll.u32 s5, $0x1;
	s5 =	sadd.s32 s21, s3  }
0x9d: {  	[timem:s7], [sflag:s22] =	dma.local [hbm:s5], s20  }
0x9e: {  	_ =	swait.ge [sflag:s22], s20  }
0x9f: {  	s4 =	ssub.s32 $0x0, s20;
	[sflag:s22] =	ssyncset.done $0x0  }
0xa0: {  	[sflag:s22] =	ssyncadd.s32 s4;
	_ =	sdelay $0x1  }
0xa1: {  	s23 =	simm.s32 $0x1B8B  }
0xa2: {  	_ =	swait.ge [sflag:s23], $0x1  }
0xa3: {  	[sflag:s23] =	ssyncset.done $0x0  }
0xa4: {  	s25 =	simm.s32 $0x1B8E;
	s24 =	sld [smem:$0x3FFE];
	[sflag:s23] =	ssyncadd.s32 $0xFFFFFFFF  }
0xa5: {  	s26 =	simm.s32 $execute0_lowered;
	[smem:$0x3FD2] =	sst s25  }
0xa6: {  	s5 =	sshll.u32 s26, $0x1;
	_ =	strace $0x80000046;
	[dreg:$0x1] =	wrdreg $0xFFFFFFFF  }
0xa7: {  	s28 =	simm.s32 $_size_execute0_lowered;
	s3 =	sadd.s32 s3, s5;
	[dreg:$0x0] =	wrdreg $0x0  }
0xa8: {  	s5 =	sshll.u32 s28, $0x1;
	[dreg:$0x2] =	wrdreg s3  }
0xa9: {  	[dreg:$0x3] =	wrdreg s5  }
0xaa: {  	[dreg:$0x4] =	wrdreg $0xC0  }
0xab: {  	_ =	task [dreg:s7], $0x5FFFF  }
0xac: {  	[dreg:$0x1] =	wrdreg $0xFFFFFFFF  }
0xad: {  	[dreg:$0x0] =	wrdreg $0x60  }
0xae: {  	[dreg:$0x2] =	wrdreg s24  }
0xaf: {  	[dreg:$0x3] =	wrdreg s2  }
0xb0: {  	[dreg:$0x4] =	wrdreg $0x115000  }
0xb1: {  	[dreg:$0x5] =	wrdreg $0x9  }
0xb2: {  	_ =	task.clear_ibuf [dreg:s7], $0x6FFFF;
	_ =	strace $0x90000046  }
0xb3: {  	s29 =	simm.s32 $0x9;
	_ =	strace $0x80000048  }
0xb4: {  	_ =	swait.ge [sflag:s29], $0x1  }
0xb5: {  	[sflag:s29] =	ssyncadd.s32 $0xFFFFFFFF  }
0xb6: {  	_ =	strace $0x90000048  }
0xb7: {  	_ =	sfence  }
0xb8: {  	s30 =	sld [smem:$0x0];
	_ =	sdelay $0x2  }
0xb9: {  	s31 =	sshll.u32 s1, $0xD;
	s1 =	sshrl.u32 s1, $0x2  }
0xba: {  	s3 =	sand.u32 $0x4000, s31;
	s1 =	sadd.s32 s1, s30  }
0xbb: {  	s0 =	sor.u32 s3, s0;
	s1 =	sshll.u32 s1, $0x11  }
0xbc: {  	s0 =	sor.u32 s1, s0  }
0xbd: {  	s0 =	sadd.s32 $0x8F2B, s0  }
0xbe: {  	[sflag:s0] =	ssyncadd.remote.s32 $0x1  }
0xbf: {  	_ =	sfence.sel $0xFFFF  }
0xc0: {  	[dreg:$0x0] =	wrdreg $0xFFFFFFFF;
	(pc) =	sbr.abs _section_cstart, $3  }
0xc1: {  	[dreg:$0x1] =	wrdreg $0xFFFFFFFF  }
0xc2: {  	_ =	task.clear_ibuf [dreg:s7], $0x2FFFF;
	_ =	strace $0x9FFFFFFF  }
0xc3: {  	(tm) =	ssettm $0x7FFFFFFF  }
tec
execute0_lowered:
.L_overlay_start_1:
0x0: {  	(tag) =	ssettag $0x1  }
0x1: {  	s1 =	rddreg [dreg:$0x0]  }
0x2: {  	s0 =	srdreg.scid;
	s3 =	rddreg [dreg:$0x1]  }
0x3: {  	s10 =	stileid.u32;
	s4 =	rddreg [dreg:$0x2];
	s31 =	simm.s32 $0x9D00  }
0x4: {  	s28 =	simm.s32 $0x18D00;
	s29 =	simm.s32 $0x19480;
	s30 =	simm.s32 $0x0  }
0x5: {  	s0 =	sand.u32 $0x1, s0;
	s6 =	smul.u32 $0xF00, s10;
	s22 =	sshrl.u32 s10, $0x3  }
0x6: {  	s23 =	smul.u32 $0xF000, s10;
	s26 =	sshll.u32 s10, $0x7;
	s2 =	sshll.u32 s0, $0x4  }
0x7: {  	s8 =	sshll.u32 s0, $0x7;
	s0 =	ssub.s32 $0x2, s0;
	s2 =	sor.u32 s10, s2  }
0x8: {  	s6 =	sor.u32 s8, s6;
	s9 =	sshrl.u32 s0, $0x1;
	s8 =	smul.u32 $0xF0000, s22  }
0x9: {  	s5 =	smul.u32 $0x2710, s2;
	s2 =	simm.s32 $0x0;
	s6 =	sshrl.u32 s6, $0x3  }
0xa: {  	s0 =	ssub.s32 s0, s9;
	[smem:$0x7FF] =	sst s2;
	s8 =	sshrl.u32 s8, $0x2  }
0xb: {  	s5 =	sshrl.u32 s5, $0x3;
	_ =	strace $0x80000047;
	s8 =	sadd.s32 s8, s4  }
0xc: {  	s7 =	sadd.s32 s5, s1;
	s1 =	sadd.s32 s6, s1;
	s3 =	sadd.s32 s3, s5  }
0xd: {  	s6 =	sshrl.u32 s23, $0x2;
	[dreg:$0x4] =	wrdreg s3;
	s24 =	sadd.s32 $0x1000, s7  }
0xe: {  	s25 =	sadd.s32 $0xAC40, s7;
	s3 =	sand.u32 $0x380, s26;
	s6 =	sadd.s32 s6, s4  }
0xf: {  	s7 =	sadd.s32 $0x14880, s7;
	s26 =	simm.s32 $0x1;
	[dreg:$0x5] =	wrdreg s24  }
0x10: {  	[dreg:$0x6] =	wrdreg s25;
	s8 =	sadd.s32 s3, s8;
	s9 =	sadd.s32 $0x80, s6  }
0x11: {  	s10 =	sadd.s32 $0x100, s6;
	s11 =	sadd.s32 $0x180, s6;
	s12 =	sadd.s32 $0x200, s6  }
0x12: {  	s13 =	sadd.s32 $0x280, s6;
	s14 =	sadd.s32 $0x300, s6;
	s15 =	sadd.s32 $0x380, s6  }
0x13: {  	s16 =	sadd.s32 $0x3C000, s6;
	s17 =	sadd.s32 $0x3C080, s6;
	s18 =	sadd.s32 $0x3C100, s6  }
0x14: {  	s19 =	sadd.s32 $0x3C180, s6;
	s20 =	sadd.s32 $0x3C200, s6;
	s21 =	sadd.s32 $0x3C280, s6  }
0x15: {  	s22 =	sadd.s32 $0x3C300, s6;
	s23 =	sadd.s32 $0x3C380, s6;
	s24 =	sadd.s32 $0x1E600, s1  }
0x16: {  	v0 =	vimm.f32 $0.0e+00;
	s25 =	smax.u32 s0, $0x1;
	s1 =	simm.s32 $0x80;
	s0 =	simm.s32 $0x400  }
.LBB2_1:
0x17: {  	s3 =	rddreg [dreg:$0x4]  }
0x18: {  	[tilespmem:s2], [sflag:$0x1] =	stream.linear.gather [hbm4b:s3+s2], $0x2710, $0x38;
	[tilespmem:$0x19C00] =	vst v63  }
0x19: {  	_ =	swait.ge [sflag:s26], $0x2710  }
0x1a: {  	[sflag:s26] =	ssyncset.done $0x0  }
0x1b: {  	s4 =	simm.s32 $0x2780;
	s5 =	rddreg [dreg:$0x5];
	[sflag:s26] =	ssyncadd.s32 $0xFFFFD8F0  }
0x1c: {  	[tilespmem:s4], [sflag:$0x1] =	stream.linear.gather [hbm4b:s5+s2], $0x2710, $0x38;
	[tilespmem:$0x19C00] =	vst v63  }
0x1d: {  	_ =	swait.ge [sflag:s26], $0x2710  }
0x1e: {  	[sflag:s26] =	ssyncset.done $0x0  }
0x1f: {  	s5 =	simm.s32 $0x4E90;
	s4 =	rddreg [dreg:$0x6];
	[sflag:s26] =	ssyncadd.s32 $0xFFFFD8F0  }
0x20: {  	[tilespmem:s5], [sflag:$0x1] =	stream.linear.gather [hbm4b:s4+s2], $0x2710, $0x38;
	[tilespmem:$0x19C00] =	vst v63  }
0x21: {  	_ =	swait.ge [sflag:s26], $0x2710  }
0x22: {  	[sflag:s26] =	ssyncset.done $0x0  }
0x23: {  	s5 =	simm.s32 $0x75A0;
	[sflag:s26] =	ssyncadd.s32 $0xFFFFD8F0  }
0x24: {  	[tilespmem:s5], [sflag:$0x1] =	stream.linear.gather [hbm4b:s7+s2], $0x2710, $0x38;
	[tilespmem:$0x19C00] =	vst v63  }
0x25: {  	_ =	swait.ge [sflag:s26], $0x2710  }
0x26: {  	[sflag:s26] =	ssyncset.done $0x0  }
0x27: {  	s3 =	simm.s32 $0x0;
	[sflag:s26] =	ssyncadd.s32 $0xFFFFD8F0  }
.LBB2_2:
0x28: {  	p0 =	sne.s32 s3, $0x1DFC0  }
.Ltmp0:
0x29: {  	_ = 	snop;
	(pc) =	sbr.rel @p0 .LBB2_2-.Ltmp0, $3  }
0x2a: {  	_ =	sdelay $0x1  }
0x2b: {  	s4 =	sshra.s32 s3, $0x2  }
0x2c: {  	s3 =	sadd.s32 $0x40, s3;
	[tilespmem:s4+$0x9D00] =	vst v0  }
0x2d: {  	s5 =	simm.s32 $0x0  }
0x2e: {  	v2 =	vld [tilespmem:s5+$0x0];
	_ =	sdelay $0x2  }
0x2f: {  	v1 =	vld [tilespmem:s5+$0x2780];
	_ =	sdelay $0x4  }
0x30: {  	[tilespmem:v2+s31+$0x0] =	vst.idx.add.f32.msk $0xffff, v1  }
0x31: {  	v3 =	vadd.s32 $0x2800, v2;
	v1 =	vld [tilespmem:s5+$0x4E90];
	_ =	sdelay $0x4  }
0x32: {  	[tilespmem:v3+s31+$0x0] =	vst.idx.add.f32.msk $0xffff, v1  }
0x33: {  	s3 =	simm.s32 $0x40;
	s4 =	simm.s32 $0x80;
	v2 =	vadd.s32 $0x5000, v2;
	v1 =	vld [tilespmem:s5+$0x75A0]  }
.LBB2_4:
0x34: {  	_ =	sdelay $0x2  }
0x35: {  	p0 =	sne.s32 s4, $0x9C00  }
0x36: {  	s5 =	sshra.s32 s3, $0x2;
	s3 =	smov.u32 s4;
	s4 =	sadd.s32 $0x40, s4;
	[tilespmem:v2+s31+$0x0] =	vst.idx.add.f32.msk $0xffff, v1  }
0x37: {  	v2 =	vld [tilespmem:s5+$0x0];
	_ =	sdelay $0x2  }
0x38: {  	v1 =	vld [tilespmem:s5+$0x2780];
	_ =	sdelay $0x4  }
0x39: {  	[tilespmem:v2+s31+$0x0] =	vst.idx.add.f32.msk $0xffff, v1  }
0x3a: {  	v3 =	vadd.s32 $0x2800, v2;
	v1 =	vld [tilespmem:s5+$0x4E90];
	_ =	sdelay $0x1  }
.Ltmp1:
0x3b: {  	(pc) =	sbr.rel @p0 .LBB2_4-.Ltmp1, $3  }
0x3c: {  	_ =	sdelay $0x1  }
0x3d: {  	[tilespmem:v3+s31+$0x0] =	vst.idx.add.f32.msk $0xffff, v1  }
0x3e: {  	v2 =	vadd.s32 $0x5000, v2;
	v1 =	vld [tilespmem:s5+$0x75A0]  }
0x3f: {  	_ =	sdelay $0x3  }
0x40: {  	s3 =	sshra.s32 s3, $0x2;
	[tilespmem:v2+s31+$0x0] =	vst.idx.add.f32.msk $0xffff, v1  }
0x41: {  	v1 =	vld [tilespmem:s3+$0x0];
	_ =	sdelay $0x2  }
0x42: {  	v2 =	vld [tilespmem:s3+$0x2780];
	_ =	sdelay $0x4  }
0x43: {  	[tilespmem:v1+s31+$0x0] =	vst.idx.add.f32.msk $0xffff, v2  }
0x44: {  	v3 =	vadd.s32 $0x2800, v1;
	v2 =	vld [tilespmem:s3+$0x4E90];
	_ =	sdelay $0x4  }
0x45: {  	[tilespmem:v3+s31+$0x0] =	vst.idx.add.f32.msk $0xffff, v2  }
0x46: {  	v1 =	vadd.s32 $0x5000, v1;
	v2 =	vld [tilespmem:s3+$0x75A0];
	_ =	sdelay $0x4  }
0x47: {  	[tilespmem:v1+s31+$0x0] =	vst.idx.add.f32.msk $0xffff, v2  }
0x48: {  	[spmem:s8] =	stream.strided.scatter [tilespmem:s31], [sflag:$0x1], $0x7800, s0, s1, $0x38;
	[tilespmem:$0x19C00] =	vst v63  }
0x49: {  	_ =	swait.ge [sflag:s26], $0x7800  }
0x4a: {  	[sflag:s26] =	ssyncset.done $0x0  }
0x4b: {  	[sflag:s26] =	ssyncadd.s32 $0xFFFF8800  }
0x4c: {  	[bflag:$0x0] =	sbarrier.arrive $0xFFFF  }
0x4d: {  	[tilespmem:s28], [sflag:$0x1] =	stream.strided.gather [spmem:s6], $0x780, s0, s1, $0x38;
	[tilespmem:$0x19C00] =	vst v63  }
0x4e: {  	_ =	swait.ge [sflag:s26], $0x780  }
0x4f: {  	[sflag:s26] =	ssyncset.done $0x0  }
0x50: {  	[sflag:s26] =	ssyncadd.s32 $0xFFFFF880  }
0x51: {  	[tilespmem:s29], [sflag:$0x1] =	stream.strided.gather [spmem:s9], $0x780, s0, s1, $0x38;
	[tilespmem:$0x19C00] =	vst v63  }
0x52: {  	_ =	swait.ge [sflag:s26], $0x780  }
0x53: {  	[sflag:s26] =	ssyncset.done $0x0  }
0x54: {  	s3 =	simm.s32 $0x0;
	[sflag:s26] =	ssyncadd.s32 $0xFFFFF880  }
0x55: {  	s4 =	simm.s32 $0x40;
	v1 =	vld [tilespmem:s3+$0x19480]  }
.LBB2_6:
0x56: {  	p0 =	sne.s32 s4, $0x1DC0;
	v2 =	vld [tilespmem:s3+$0x18D00];
	_ =	sdelay $0x2  }
.Ltmp2:
0x57: {  	(pc) =	sbr.rel @p0 .LBB2_6-.Ltmp2, $4  }
0x58: {  	_ = 	snop  }
0x59: {  	v2 =	vadd.f32 v1, v2  }
0x5a: {  	s5 =	sshra.s32 s4, $0x2  }
0x5b: {  	s4 =	sadd.s32 $0x40, s4;
	v1 =	vld [tilespmem:s5+$0x19480];
	[tilespmem:s3+$0x18D00] =	vst v2;
	s3 =	smov.u32 s5  }
0x5c: {  	v2 =	vld [tilespmem:s3+$0x18D00];
	_ =	sdelay $0x4  }
0x5d: {  	v1 =	vadd.f32 v1, v2;
	_ =	sdelay $0x1  }
0x5e: {  	[tilespmem:s3+$0x18D00] =	vst v1  }
0x5f: {  	[tilespmem:s29], [sflag:$0x1] =	stream.strided.gather [spmem:s10], $0x780, s0, s1, $0x38;
	[tilespmem:$0x19C00] =	vst v63  }
0x60: {  	_ =	swait.ge [sflag:s26], $0x780  }
0x61: {  	[sflag:s26] =	ssyncset.done $0x0  }
0x62: {  	s3 =	simm.s32 $0x0;
	[sflag:s26] =	ssyncadd.s32 $0xFFFFF880  }
0x63: {  	s4 =	simm.s32 $0x40;
	v1 =	vld [tilespmem:s3+$0x19480]  }
.LBB2_8:
0x64: {  	p0 =	sne.s32 s4, $0x1DC0;
	v2 =	vld [tilespmem:s3+$0x18D00];
	_ =	sdelay $0x2  }
.Ltmp3:
0x65: {  	(pc) =	sbr.rel @p0 .LBB2_8-.Ltmp3, $4  }
0x66: {  	_ = 	snop  }
0x67: {  	v2 =	vadd.f32 v1, v2  }
0x68: {  	s5 =	sshra.s32 s4, $0x2  }
0x69: {  	s4 =	sadd.s32 $0x40, s4;
	v1 =	vld [tilespmem:s5+$0x19480];
	[tilespmem:s3+$0x18D00] =	vst v2;
	s3 =	smov.u32 s5  }
0x6a: {  	v2 =	vld [tilespmem:s3+$0x18D00];
	_ =	sdelay $0x4  }
0x6b: {  	v1 =	vadd.f32 v1, v2;
	_ =	sdelay $0x1  }
0x6c: {  	[tilespmem:s3+$0x18D00] =	vst v1  }
0x6d: {  	[tilespmem:s29], [sflag:$0x1] =	stream.strided.gather [spmem:s11], $0x780, s0, s1, $0x38;
	[tilespmem:$0x19C00] =	vst v63  }
0x6e: {  	_ =	swait.ge [sflag:s26], $0x780  }
0x6f: {  	[sflag:s26] =	ssyncset.done $0x0  }
0x70: {  	s3 =	simm.s32 $0x0;
	[sflag:s26] =	ssyncadd.s32 $0xFFFFF880  }
0x71: {  	s4 =	simm.s32 $0x40;
	v1 =	vld [tilespmem:s3+$0x19480]  }
.LBB2_10:
0x72: {  	p0 =	sne.s32 s4, $0x1DC0;
	v2 =	vld [tilespmem:s3+$0x18D00];
	_ =	sdelay $0x2  }
.Ltmp4:
0x73: {  	(pc) =	sbr.rel @p0 .LBB2_10-.Ltmp4, $4  }
0x74: {  	_ = 	snop  }
0x75: {  	v2 =	vadd.f32 v1, v2  }
0x76: {  	s5 =	sshra.s32 s4, $0x2  }
0x77: {  	s4 =	sadd.s32 $0x40, s4;
	v1 =	vld [tilespmem:s5+$0x19480];
	[tilespmem:s3+$0x18D00] =	vst v2;
	s3 =	smov.u32 s5  }
0x78: {  	v2 =	vld [tilespmem:s3+$0x18D00];
	_ =	sdelay $0x4  }
0x79: {  	v1 =	vadd.f32 v1, v2;
	_ =	sdelay $0x1  }
0x7a: {  	[tilespmem:s3+$0x18D00] =	vst v1  }
0x7b: {  	[tilespmem:s29], [sflag:$0x1] =	stream.strided.gather [spmem:s12], $0x780, s0, s1, $0x38;
	[tilespmem:$0x19C00] =	vst v63  }
0x7c: {  	_ =	swait.ge [sflag:s26], $0x780  }
0x7d: {  	[sflag:s26] =	ssyncset.done $0x0  }
0x7e: {  	s3 =	simm.s32 $0x0;
	[sflag:s26] =	ssyncadd.s32 $0xFFFFF880  }
0x7f: {  	s4 =	simm.s32 $0x40;
	v1 =	vld [tilespmem:s3+$0x19480]  }
.LBB2_12:
0x80: {  	p0 =	sne.s32 s4, $0x1DC0;
	v2 =	vld [tilespmem:s3+$0x18D00];
	_ =	sdelay $0x2  }
.Ltmp5:
0x81: {  	(pc) =	sbr.rel @p0 .LBB2_12-.Ltmp5, $4  }
0x82: {  	_ = 	snop  }
0x83: {  	v2 =	vadd.f32 v1, v2  }
0x84: {  	s5 =	sshra.s32 s4, $0x2  }
0x85: {  	s4 =	sadd.s32 $0x40, s4;
	v1 =	vld [tilespmem:s5+$0x19480];
	[tilespmem:s3+$0x18D00] =	vst v2;
	s3 =	smov.u32 s5  }
0x86: {  	v2 =	vld [tilespmem:s3+$0x18D00];
	_ =	sdelay $0x4  }
0x87: {  	v1 =	vadd.f32 v1, v2;
	_ =	sdelay $0x1  }
0x88: {  	[tilespmem:s3+$0x18D00] =	vst v1  }
0x89: {  	[tilespmem:s29], [sflag:$0x1] =	stream.strided.gather [spmem:s13], $0x780, s0, s1, $0x38;
	[tilespmem:$0x19C00] =	vst v63  }
0x8a: {  	_ =	swait.ge [sflag:s26], $0x780  }
0x8b: {  	[sflag:s26] =	ssyncset.done $0x0  }
0x8c: {  	s3 =	simm.s32 $0x0;
	[sflag:s26] =	ssyncadd.s32 $0xFFFFF880  }
0x8d: {  	s4 =	simm.s32 $0x40;
	v1 =	vld [tilespmem:s3+$0x19480]  }
.LBB2_14:
0x8e: {  	p0 =	sne.s32 s4, $0x1DC0;
	v2 =	vld [tilespmem:s3+$0x18D00];
	_ =	sdelay $0x2  }
.Ltmp6:
0x8f: {  	(pc) =	sbr.rel @p0 .LBB2_14-.Ltmp6, $4  }
0x90: {  	_ = 	snop  }
0x91: {  	v2 =	vadd.f32 v1, v2  }
0x92: {  	s5 =	sshra.s32 s4, $0x2  }
0x93: {  	s4 =	sadd.s32 $0x40, s4;
	v1 =	vld [tilespmem:s5+$0x19480];
	[tilespmem:s3+$0x18D00] =	vst v2;
	s3 =	smov.u32 s5  }
0x94: {  	v2 =	vld [tilespmem:s3+$0x18D00];
	_ =	sdelay $0x4  }
0x95: {  	v1 =	vadd.f32 v1, v2;
	_ =	sdelay $0x1  }
0x96: {  	[tilespmem:s3+$0x18D00] =	vst v1  }
0x97: {  	[tilespmem:s29], [sflag:$0x1] =	stream.strided.gather [spmem:s14], $0x780, s0, s1, $0x38;
	[tilespmem:$0x19C00] =	vst v63  }
0x98: {  	_ =	swait.ge [sflag:s26], $0x780  }
0x99: {  	[sflag:s26] =	ssyncset.done $0x0  }
0x9a: {  	s3 =	simm.s32 $0x0;
	[sflag:s26] =	ssyncadd.s32 $0xFFFFF880  }
0x9b: {  	s4 =	simm.s32 $0x40;
	v1 =	vld [tilespmem:s3+$0x19480]  }
.LBB2_16:
0x9c: {  	p0 =	sne.s32 s4, $0x1DC0;
	v2 =	vld [tilespmem:s3+$0x18D00];
	_ =	sdelay $0x2  }
.Ltmp7:
0x9d: {  	(pc) =	sbr.rel @p0 .LBB2_16-.Ltmp7, $4  }
0x9e: {  	_ = 	snop  }
0x9f: {  	v2 =	vadd.f32 v1, v2  }
0xa0: {  	s5 =	sshra.s32 s4, $0x2  }
0xa1: {  	s4 =	sadd.s32 $0x40, s4;
	v1 =	vld [tilespmem:s5+$0x19480];
	[tilespmem:s3+$0x18D00] =	vst v2;
	s3 =	smov.u32 s5  }
0xa2: {  	v2 =	vld [tilespmem:s3+$0x18D00];
	_ =	sdelay $0x4  }
0xa3: {  	v1 =	vadd.f32 v1, v2;
	_ =	sdelay $0x1  }
0xa4: {  	[tilespmem:s3+$0x18D00] =	vst v1  }
0xa5: {  	[tilespmem:s29], [sflag:$0x1] =	stream.strided.gather [spmem:s15], $0x780, s0, s1, $0x38;
	[tilespmem:$0x19C00] =	vst v63  }
0xa6: {  	_ =	swait.ge [sflag:s26], $0x780  }
0xa7: {  	[sflag:s26] =	ssyncset.done $0x0  }
0xa8: {  	s3 =	simm.s32 $0x0;
	[sflag:s26] =	ssyncadd.s32 $0xFFFFF880  }
0xa9: {  	s4 =	simm.s32 $0x40;
	v1 =	vld [tilespmem:s3+$0x19480]  }
.LBB2_18:
0xaa: {  	p0 =	sne.s32 s4, $0x1DC0;
	v2 =	vld [tilespmem:s3+$0x18D00];
	_ =	sdelay $0x2  }
.Ltmp8:
0xab: {  	(pc) =	sbr.rel @p0 .LBB2_18-.Ltmp8, $4  }
0xac: {  	_ = 	snop  }
0xad: {  	v2 =	vadd.f32 v1, v2  }
0xae: {  	s5 =	sshra.s32 s4, $0x2  }
0xaf: {  	s4 =	sadd.s32 $0x40, s4;
	v1 =	vld [tilespmem:s5+$0x19480];
	[tilespmem:s3+$0x18D00] =	vst v2;
	s3 =	smov.u32 s5  }
0xb0: {  	v2 =	vld [tilespmem:s3+$0x18D00];
	_ =	sdelay $0x4  }
0xb1: {  	v1 =	vadd.f32 v1, v2;
	_ =	sdelay $0x1  }
0xb2: {  	[tilespmem:s3+$0x18D00] =	vst v1  }
0xb3: {  	[tilespmem:s29], [sflag:$0x1] =	stream.strided.gather [spmem:s16], $0x780, s0, s1, $0x38;
	[tilespmem:$0x19C00] =	vst v63  }
0xb4: {  	_ =	swait.ge [sflag:s26], $0x780  }
0xb5: {  	[sflag:s26] =	ssyncset.done $0x0  }
0xb6: {  	s3 =	simm.s32 $0x0;
	[sflag:s26] =	ssyncadd.s32 $0xFFFFF880  }
0xb7: {  	s4 =	simm.s32 $0x40;
	v1 =	vld [tilespmem:s3+$0x19480]  }
.LBB2_20:
0xb8: {  	p0 =	sne.s32 s4, $0x1DC0;
	v2 =	vld [tilespmem:s3+$0x18D00];
	_ =	sdelay $0x2  }
.Ltmp9:
0xb9: {  	(pc) =	sbr.rel @p0 .LBB2_20-.Ltmp9, $4  }
0xba: {  	_ = 	snop  }
0xbb: {  	v2 =	vadd.f32 v1, v2  }
0xbc: {  	s5 =	sshra.s32 s4, $0x2  }
0xbd: {  	s4 =	sadd.s32 $0x40, s4;
	v1 =	vld [tilespmem:s5+$0x19480];
	[tilespmem:s3+$0x18D00] =	vst v2;
	s3 =	smov.u32 s5  }
0xbe: {  	v2 =	vld [tilespmem:s3+$0x18D00];
	_ =	sdelay $0x4  }
0xbf: {  	v1 =	vadd.f32 v1, v2;
	_ =	sdelay $0x1  }
0xc0: {  	[tilespmem:s3+$0x18D00] =	vst v1  }
0xc1: {  	[tilespmem:s29], [sflag:$0x1] =	stream.strided.gather [spmem:s17], $0x780, s0, s1, $0x38;
	[tilespmem:$0x19C00] =	vst v63  }
0xc2: {  	_ =	swait.ge [sflag:s26], $0x780  }
0xc3: {  	[sflag:s26] =	ssyncset.done $0x0  }
0xc4: {  	s3 =	simm.s32 $0x0;
	[sflag:s26] =	ssyncadd.s32 $0xFFFFF880  }
0xc5: {  	s4 =	simm.s32 $0x40;
	v1 =	vld [tilespmem:s3+$0x19480]  }
.LBB2_22:
0xc6: {  	p0 =	sne.s32 s4, $0x1DC0;
	v2 =	vld [tilespmem:s3+$0x18D00];
	_ =	sdelay $0x2  }
.Ltmp10:
0xc7: {  	(pc) =	sbr.rel @p0 .LBB2_22-.Ltmp10, $4  }
0xc8: {  	_ = 	snop  }
0xc9: {  	v2 =	vadd.f32 v1, v2  }
0xca: {  	s5 =	sshra.s32 s4, $0x2  }
0xcb: {  	s4 =	sadd.s32 $0x40, s4;
	v1 =	vld [tilespmem:s5+$0x19480];
	[tilespmem:s3+$0x18D00] =	vst v2;
	s3 =	smov.u32 s5  }
0xcc: {  	v2 =	vld [tilespmem:s3+$0x18D00];
	_ =	sdelay $0x4  }
0xcd: {  	v1 =	vadd.f32 v1, v2;
	_ =	sdelay $0x1  }
0xce: {  	[tilespmem:s3+$0x18D00] =	vst v1  }
0xcf: {  	[tilespmem:s29], [sflag:$0x1] =	stream.strided.gather [spmem:s18], $0x780, s0, s1, $0x38;
	[tilespmem:$0x19C00] =	vst v63  }
0xd0: {  	_ =	swait.ge [sflag:s26], $0x780  }
0xd1: {  	[sflag:s26] =	ssyncset.done $0x0  }
0xd2: {  	s3 =	simm.s32 $0x0;
	[sflag:s26] =	ssyncadd.s32 $0xFFFFF880  }
0xd3: {  	s4 =	simm.s32 $0x40;
	v1 =	vld [tilespmem:s3+$0x19480]  }
.LBB2_24:
0xd4: {  	p0 =	sne.s32 s4, $0x1DC0;
	v2 =	vld [tilespmem:s3+$0x18D00];
	_ =	sdelay $0x2  }
.Ltmp11:
0xd5: {  	(pc) =	sbr.rel @p0 .LBB2_24-.Ltmp11, $4  }
0xd6: {  	_ = 	snop  }
0xd7: {  	v2 =	vadd.f32 v1, v2  }
0xd8: {  	s5 =	sshra.s32 s4, $0x2  }
0xd9: {  	s4 =	sadd.s32 $0x40, s4;
	v1 =	vld [tilespmem:s5+$0x19480];
	[tilespmem:s3+$0x18D00] =	vst v2;
	s3 =	smov.u32 s5  }
0xda: {  	v2 =	vld [tilespmem:s3+$0x18D00];
	_ =	sdelay $0x4  }
0xdb: {  	v1 =	vadd.f32 v1, v2;
	_ =	sdelay $0x1  }
0xdc: {  	[tilespmem:s3+$0x18D00] =	vst v1  }
0xdd: {  	[tilespmem:s29], [sflag:$0x1] =	stream.strided.gather [spmem:s19], $0x780, s0, s1, $0x38;
	[tilespmem:$0x19C00] =	vst v63  }
0xde: {  	_ =	swait.ge [sflag:s26], $0x780  }
0xdf: {  	[sflag:s26] =	ssyncset.done $0x0  }
0xe0: {  	s3 =	simm.s32 $0x0;
	[sflag:s26] =	ssyncadd.s32 $0xFFFFF880  }
0xe1: {  	s4 =	simm.s32 $0x40;
	v1 =	vld [tilespmem:s3+$0x19480]  }
.LBB2_26:
0xe2: {  	p0 =	sne.s32 s4, $0x1DC0;
	v2 =	vld [tilespmem:s3+$0x18D00];
	_ =	sdelay $0x2  }
.Ltmp12:
0xe3: {  	(pc) =	sbr.rel @p0 .LBB2_26-.Ltmp12, $4  }
0xe4: {  	_ = 	snop  }
0xe5: {  	v2 =	vadd.f32 v1, v2  }
0xe6: {  	s5 =	sshra.s32 s4, $0x2  }
0xe7: {  	s4 =	sadd.s32 $0x40, s4;
	v1 =	vld [tilespmem:s5+$0x19480];
	[tilespmem:s3+$0x18D00] =	vst v2;
	s3 =	smov.u32 s5  }
0xe8: {  	v2 =	vld [tilespmem:s3+$0x18D00];
	_ =	sdelay $0x4  }
0xe9: {  	v1 =	vadd.f32 v1, v2;
	_ =	sdelay $0x1  }
0xea: {  	[tilespmem:s3+$0x18D00] =	vst v1  }
0xeb: {  	[tilespmem:s29], [sflag:$0x1] =	stream.strided.gather [spmem:s20], $0x780, s0, s1, $0x38;
	[tilespmem:$0x19C00] =	vst v63  }
0xec: {  	_ =	swait.ge [sflag:s26], $0x780  }
0xed: {  	[sflag:s26] =	ssyncset.done $0x0  }
0xee: {  	s3 =	simm.s32 $0x0;
	[sflag:s26] =	ssyncadd.s32 $0xFFFFF880  }
0xef: {  	s4 =	simm.s32 $0x40;
	v1 =	vld [tilespmem:s3+$0x19480]  }
.LBB2_28:
0xf0: {  	p0 =	sne.s32 s4, $0x1DC0;
	v2 =	vld [tilespmem:s3+$0x18D00];
	_ =	sdelay $0x2  }
.Ltmp13:
0xf1: {  	(pc) =	sbr.rel @p0 .LBB2_28-.Ltmp13, $4  }
0xf2: {  	_ = 	snop  }
0xf3: {  	v2 =	vadd.f32 v1, v2  }
0xf4: {  	s5 =	sshra.s32 s4, $0x2  }
0xf5: {  	s4 =	sadd.s32 $0x40, s4;
	v1 =	vld [tilespmem:s5+$0x19480];
	[tilespmem:s3+$0x18D00] =	vst v2;
	s3 =	smov.u32 s5  }
0xf6: {  	v2 =	vld [tilespmem:s3+$0x18D00];
	_ =	sdelay $0x4  }
0xf7: {  	v1 =	vadd.f32 v1, v2;
	_ =	sdelay $0x1  }
0xf8: {  	[tilespmem:s3+$0x18D00] =	vst v1  }
0xf9: {  	[tilespmem:s29], [sflag:$0x1] =	stream.strided.gather [spmem:s21], $0x780, s0, s1, $0x38;
	[tilespmem:$0x19C00] =	vst v63  }
0xfa: {  	_ =	swait.ge [sflag:s26], $0x780  }
0xfb: {  	[sflag:s26] =	ssyncset.done $0x0  }
0xfc: {  	s3 =	simm.s32 $0x0;
	[sflag:s26] =	ssyncadd.s32 $0xFFFFF880  }
0xfd: {  	s4 =	simm.s32 $0x40;
	v1 =	vld [tilespmem:s3+$0x19480]  }
.LBB2_30:
0xfe: {  	p0 =	sne.s32 s4, $0x1DC0;
	v2 =	vld [tilespmem:s3+$0x18D00];
	_ =	sdelay $0x2  }
.Ltmp14:
0xff: {  	(pc) =	sbr.rel @p0 .LBB2_30-.Ltmp14, $4  }
0x100: {  	_ = 	snop  }
0x101: {  	v2 =	vadd.f32 v1, v2  }
0x102: {  	s5 =	sshra.s32 s4, $0x2  }
0x103: {  	s4 =	sadd.s32 $0x40, s4;
	v1 =	vld [tilespmem:s5+$0x19480];
	[tilespmem:s3+$0x18D00] =	vst v2;
	s3 =	smov.u32 s5  }
0x104: {  	v2 =	vld [tilespmem:s3+$0x18D00];
	_ =	sdelay $0x4  }
0x105: {  	v1 =	vadd.f32 v1, v2;
	_ =	sdelay $0x1  }
0x106: {  	[tilespmem:s3+$0x18D00] =	vst v1  }
0x107: {  	[tilespmem:s29], [sflag:$0x1] =	stream.strided.gather [spmem:s22], $0x780, s0, s1, $0x38;
	[tilespmem:$0x19C00] =	vst v63  }
0x108: {  	_ =	swait.ge [sflag:s26], $0x780  }
0x109: {  	[sflag:s26] =	ssyncset.done $0x0  }
0x10a: {  	s3 =	simm.s32 $0x0;
	[sflag:s26] =	ssyncadd.s32 $0xFFFFF880  }
0x10b: {  	s4 =	simm.s32 $0x40;
	v1 =	vld [tilespmem:s3+$0x19480]  }
.LBB2_32:
0x10c: {  	p0 =	sne.s32 s4, $0x1DC0;
	v2 =	vld [tilespmem:s3+$0x18D00];
	_ =	sdelay $0x2  }
.Ltmp15:
0x10d: {  	(pc) =	sbr.rel @p0 .LBB2_32-.Ltmp15, $4  }
0x10e: {  	_ = 	snop  }
0x10f: {  	v2 =	vadd.f32 v1, v2  }
0x110: {  	s5 =	sshra.s32 s4, $0x2  }
0x111: {  	s4 =	sadd.s32 $0x40, s4;
	v1 =	vld [tilespmem:s5+$0x19480];
	[tilespmem:s3+$0x18D00] =	vst v2;
	s3 =	smov.u32 s5  }
0x112: {  	v2 =	vld [tilespmem:s3+$0x18D00];
	_ =	sdelay $0x4  }
0x113: {  	v1 =	vadd.f32 v1, v2;
	_ =	sdelay $0x1  }
0x114: {  	[tilespmem:s3+$0x18D00] =	vst v1  }
0x115: {  	[tilespmem:s29], [sflag:$0x1] =	stream.strided.gather [spmem:s23], $0x780, s0, s1, $0x38;
	[tilespmem:$0x19C00] =	vst v63  }
0x116: {  	_ =	swait.ge [sflag:s26], $0x780  }
0x117: {  	[sflag:s26] =	ssyncset.done $0x0  }
0x118: {  	s3 =	simm.s32 $0x0;
	[sflag:s26] =	ssyncadd.s32 $0xFFFFF880  }
0x119: {  	s4 =	simm.s32 $0x40;
	v1 =	vld [tilespmem:s3+$0x19480]  }
.LBB2_34:
0x11a: {  	p0 =	sne.s32 s4, $0x1DC0;
	v2 =	vld [tilespmem:s3+$0x18D00];
	_ =	sdelay $0x2  }
.Ltmp16:
0x11b: {  	(pc) =	sbr.rel @p0 .LBB2_34-.Ltmp16, $4  }
0x11c: {  	_ = 	snop  }
0x11d: {  	v2 =	vadd.f32 v1, v2  }
0x11e: {  	s5 =	sshra.s32 s4, $0x2  }
0x11f: {  	s4 =	sadd.s32 $0x40, s4;
	v1 =	vld [tilespmem:s5+$0x19480];
	[tilespmem:s3+$0x18D00] =	vst v2;
	s3 =	smov.u32 s5  }
0x120: {  	v2 =	vld [tilespmem:s3+$0x18D00];
	_ =	sdelay $0x4  }
0x121: {  	s30 =	sadd.s32 $0x1, s30;
	v1 =	vadd.f32 v1, v2  }
0x122: {  	p0 =	sne.s32 s30, s25  }
.Ltmp17:
0x123: {  	s5 =	simm.s32 $0x100;
	[tilespmem:s3+$0x18D00] =	vst v1;
	(pc) =	sbr.rel @p0 .LBB2_1-.Ltmp17, $4  }
0x124: {  	[hbm4b:s24+s1] =	stream.strided.scatter [tilespmem:s28], [sflag:$0x1], $0x780, s5, s1, $0x38;
	[tilespmem:$0x19C00] =	vst v63  }
0x125: {  	_ =	swait.ge [sflag:s26], $0x780  }
0x126: {  	[sflag:s26] =	ssyncset.done $0x0  }
0x127: {  	[sflag:s26] =	ssyncadd.s32 $0xFFFFF880  }
0x128: {  	_ =	sfence.sel $0x180000  }
0x129: {  	[bflag:$0x0] =	sbarrier.arrive $0xFFFF  }
0x12a: {  	_ =	strace $0x90000047  }
0x12b: {  	s0 =	stileid.u32;
	[bflag:$0x2] =	sbarrier.arrive $0xFFFF  }
0x12c: {  	p0 =	sne.s32 s0, $0x0;
	s0 =	rddreg [dreg:$0x3]  }
0x12d: {  	s0 =	sadd.s32 @!p0 $0x100000, s0  }
0x12e: {  	[sflag:s0] =	ssyncadd.tile.s32 @!p0 $0x1;
	_ =	shalt  }
.Lfunc_end2:
_tile_overlayer_lowered:
.L_overlay_start_2:
0x12f: {  	(tag) =	ssettag $0x2  }
0x130: {  	s0 =	rddreg [dreg:$0x0];
	s2 =	stileid.u32  }
0x131: {  	s1 =	rddreg [dreg:$0x1];
	p0 =	sne.s32 s2, $0x0  }
0x132: {  	s3 =	rddreg [dreg:$0x2];
	[bflag:$0x3] =	sbarrier.arrive $0xFFFF;
	s2 =	simm.s32 @!p0 $0x1C01  }
0x133: {  	[timem:s3], [sflag:s2] =	dma.local @!p0 [hbm:s0], s1  }
0x134: {  	s0 =	simm.s32 @!p0 $0x1  }
0x135: {  	_ =	swait.ge @!p0 [sflag:s0], s1  }
0x136: {  	s1 =	ssub.s32 @!p0 $0x0, s1;
	[sflag:s0] =	ssyncset.done @!p0 $0x0  }
0x137: {  	[sflag:s0] =	ssyncadd.s32 @!p0 s1  }
0x138: {  	[bflag:$0x3] =	sbarrier.arrive $0xFFFF  }
0x139: {  	_ =	shalt  }

</sc_bundles>
